<compile_context>
chip_gen: v7x
topology: tpu7x:2x2x1
jax: 0.10.2.dev20260603
libtpu: 0.0.44.dev20260713+nightly
codegen_flags: <defaults>
</compile_context>

<pallas_src>
import functools

import jax
import jax.numpy as jnp
from jax import lax
from jax.experimental import pallas as pl
from jax.experimental.pallas import tpu as pltpu
from jax.experimental.pallas import tpu_sc as plsc

N_NODES = 10000
D_IN = 128
D_HID = 16
D_OUT = 10

NC = 2
NS = 16
NW = NC * NS
BCH = 1000
KCH = 10
GB = 2
NGRP = KCH // GB
NPAD = 10112
RPT = NPAD // NS
PK = 8
NP = N_NODES // PK
NPP = NPAD // PK
RPP = RPT // PK
GLAST = NP - (NS - 1) * RPP
GLAST16 = N_NODES - (NS - 1) * RPT


def _zero_my_slice(zbuf, table16, s):
    def zrow(i, _):
        zbuf[i] = jnp.zeros((D_HID,), jnp.float32)
        return 0

    lax.fori_loop(0, RPT, zrow, 0, unroll=8)
    pltpu.sync_copy(zbuf, table16.at[pl.ds(s * RPT, RPT)])


@functools.cache
def _make_sc_degree():
    mesh = plsc.VectorSubcoreMesh(core_axis_name="c", subcore_axis_name="s",
                                  num_cores=NC, num_subcores=NS)

    @functools.partial(
        pl.kernel,
        mesh=mesh,
        out_type=jax.ShapeDtypeStruct((NC, NPAD, D_HID), jnp.float32),
        scratch_types=[
            pltpu.VMEM((KCH, BCH), jnp.int32),
            pltpu.VMEM((BCH, D_HID), jnp.float32),
            pltpu.VMEM((RPT, D_HID), jnp.float32),
            pltpu.VMEM_SHARED((NPAD, D_HID), jnp.float32),
        ],
        compiler_params=pltpu.CompilerParams(use_tc_tiling_on_sc=False),
    )
    def sc_degree(eidx, out, didx, rows, zbuf, table16):
        c = lax.axis_index("c")
        s = lax.axis_index("s")
        wid = s * NC + c
        _zero_my_slice(zbuf, table16, s)

        def orow(i, _):
            rows[i] = jnp.ones((D_HID,), jnp.float32)
            return 0

        lax.fori_loop(0, BCH, orow, 0, unroll=8)
        pltpu.sync_copy(eidx.at[1, wid], didx)
        plsc.subcore_barrier()

        def chunk(j, _):
            pltpu.sync_copy(rows, table16.at[didx.at[j]], add=True)
            return 0

        lax.fori_loop(0, KCH, chunk, 0)
        plsc.subcore_barrier()
        pltpu.sync_copy(table16.at[pl.ds(s * RPT, RPT)],
                        out.at[c, pl.ds(s * RPT, RPT)])

    return sc_degree


@functools.cache
def _make_sc_scatter():
    mesh = plsc.VectorSubcoreMesh(core_axis_name="c", subcore_axis_name="s",
                                  num_cores=NC, num_subcores=NS)

    @functools.partial(
        pl.kernel,
        mesh=mesh,
        out_type=jax.ShapeDtypeStruct((NC, NPAD, D_HID), jnp.float32),
        scratch_types=[
            pltpu.VMEM((KCH, BCH), jnp.int32),
            pltpu.VMEM((KCH, BCH), jnp.int32),
            pltpu.VMEM((2, GB, BCH, D_HID), jnp.float32),
            pltpu.VMEM((RPT, D_HID), jnp.float32),
            pltpu.VMEM_SHARED((N_NODES, D_HID), jnp.float32),
            pltpu.VMEM_SHARED((NPAD, D_HID), jnp.float32),
            pltpu.SemaphoreType.DMA,
        ],
        compiler_params=pltpu.CompilerParams(use_tc_tiling_on_sc=False),
    )
    def sc_scatter(g_hbm, eidx, out, sidx, didx, rows, zbuf, gs16,
                   table16, gsem):
        c = lax.axis_index("c")
        s = lax.axis_index("s")
        wid = s * NC + c
        _zero_my_slice(zbuf, table16, s)

        @pl.when(s < NS - 1)
        def _():
            pltpu.sync_copy(g_hbm.at[pl.ds(s * RPT, RPT)],
                            gs16.at[pl.ds(s * RPT, RPT)])

        @pl.when(s == NS - 1)
        def _():
            pltpu.sync_copy(g_hbm.at[pl.ds((NS - 1) * RPT, GLAST16)],
                            gs16.at[pl.ds((NS - 1) * RPT, GLAST16)])

        pltpu.sync_copy(eidx.at[0, wid], sidx)
        pltpu.sync_copy(eidx.at[1, wid], didx)
        plsc.subcore_barrier()

        for b in range(GB):
            pltpu.async_copy(gs16.at[sidx.at[b]], rows.at[0, b], gsem)

        def group(g, _):
            h = lax.rem(g, 2)
            for b in range(GB):
                pltpu.make_async_copy(
                    g_hbm.at[pl.ds(0, BCH)], rows.at[h, b], gsem).wait()

            @pl.when(g + 1 < NGRP)
            def _():
                for b in range(GB):
                    pltpu.async_copy(
                        gs16.at[sidx.at[(g + 1) * GB + b]],
                        rows.at[1 - h, b], gsem)

            for b in range(GB):
                pltpu.sync_copy(rows.at[h, b],
                                table16.at[didx.at[g * GB + b]], add=True)
            return 0

        lax.fori_loop(0, NGRP, group, 0)
        plsc.subcore_barrier()
        pltpu.sync_copy(table16.at[pl.ds(s * RPT, RPT)],
                        out.at[c, pl.ds(s * RPT, RPT)])

    return sc_scatter




def _mm_body(xp_ref, w1b_ref, hp_ref):
    hp_ref[...] = jnp.dot(xp_ref[...], w1b_ref[...],
                          preferred_element_type=jnp.float32)


def _tc_mm(xp, W1b):
    return pl.pallas_call(
        _mm_body,
        out_shape=jax.ShapeDtypeStruct((NP, 128), jnp.float32),
    )(xp, W1b)


def _norm_body(hp_ref, deg_ref, dinv_ref, g_ref):
    dinv = lax.rsqrt(deg_ref[0, :NP] + deg_ref[1, :NP] + 1.0)
    dinv_ref[...] = dinv
    g_ref[...] = hp_ref[...] * dinv


def _tc_norm(hp, deg):
    return pl.pallas_call(
        _norm_body,
        out_shape=[
            jax.ShapeDtypeStruct((NP, 128), jnp.float32),
            jax.ShapeDtypeStruct((NP, 128), jnp.float32),
        ],
    )(hp, deg)


def _layer2_body(raw_ref, g1_ref, dinv_ref, b1_ref, w2b_ref, g2_ref):
    pre = (dinv_ref[...] * (raw_ref[0, :NP] + raw_ref[1, :NP] + g1_ref[...])
           + b1_ref[...])
    h2 = jnp.maximum(pre, 0.0)
    g2 = jnp.dot(h2, w2b_ref[...], preferred_element_type=jnp.float32)
    g2_ref[...] = g2 * dinv_ref[...]


def _tc_layer2(raw, g1, dinv, b1p, W2b):
    return pl.pallas_call(
        _layer2_body,
        out_shape=jax.ShapeDtypeStruct((NP, 128), jnp.float32),
    )(raw, g1, dinv, b1p, W2b)


def _final_body(raw_ref, g2_ref, dinv_ref, b2_ref, o_ref):
    o_ref[...] = (dinv_ref[...] * (raw_ref[0, :NP] + raw_ref[1, :NP]
                                   + g2_ref[...]) + b2_ref[...])


def _tc_final(raw, g2, dinv, b2p):
    return pl.pallas_call(
        _final_body,
        out_shape=jax.ShapeDtypeStruct((NP, 128), jnp.float32),
    )(raw, g2, dinv, b2p)


def kernel(x, edge_index, W1, b1, W2, b2):
    eidx = edge_index.reshape(2, NW, KCH, BCH)
    eye8 = jnp.eye(PK, dtype=jnp.float32)
    W2p = jnp.zeros((D_HID, D_HID), jnp.float32).at[:, :D_OUT].set(W2)
    W1b = jnp.kron(eye8, W1)
    W2b = jnp.kron(eye8, W2p)
    b1p = jnp.tile(b1, PK).reshape(1, 128)
    b2p = jnp.tile(jnp.zeros((D_HID,), jnp.float32).at[:D_OUT].set(b2),
                   PK).reshape(1, 128)
    x_ob = lax.optimization_barrier((x, eidx))[0]
    xp = x_ob.reshape(NP, PK * D_IN)

    sc_degree = _make_sc_degree()
    sc_scatter = _make_sc_scatter()

    deg = sc_degree(eidx).reshape(NC, NPP, 128)
    hp = _tc_mm(xp, W1b)
    dinv, g1p = _tc_norm(hp, deg)
    g1 = g1p.reshape(N_NODES, D_HID)
    raw1 = sc_scatter(g1, eidx).reshape(NC, NPP, 128)
    g2p = _tc_layer2(raw1, g1p, dinv, b1p, W2b)
    raw2 = sc_scatter(g2p.reshape(N_NODES, D_HID), eidx).reshape(NC, NPP, 128)
    outp = _tc_final(raw2, g2p, dinv, b2p)
    return outp.reshape(N_NODES, D_HID)[:, :D_OUT]

# --- scband reference (transcript-rebuilt; emitter-appended) ---
"""Pipeline reference for scband-gcn-18665927868674 (READ-ONLY COPY).

The authoritative reference and input builder live on the scoring server;
editing this copy changes nothing except your own understanding.
"""

import jax, jax.numpy as jnp
import numpy as np

N = 10000
E = 320000
D_IN = 128
D_HID = 16
D_OUT = 10


def setup_inputs(seed: int = 0) -> dict:
    key = jax.random.key(seed)
    k1, k2, k3, k4 = jax.random.split(key, 4)
    x = jax.random.normal(k1, (N, D_IN), dtype=jnp.float32)
    edge_index = jax.random.randint(k2, (2, E), 0, N, dtype=jnp.int32)
    W1 = jax.random.normal(k3, (D_IN, D_HID), dtype=jnp.float32) * (1.0 / np.sqrt(D_IN))
    b1 = jnp.zeros((D_HID,), dtype=jnp.float32)
    W2 = jax.random.normal(k4, (D_HID, D_OUT), dtype=jnp.float32) * (1.0 / np.sqrt(D_HID))
    b2 = jnp.zeros((D_OUT,), dtype=jnp.float32)
    return {"x": x, "edge_index": edge_index, "W1": W1, "b1": b1, "W2": W2, "b2": b2}


def _gcn_conv(x, src, dst, norm, W, b, n_nodes):
    # GCNConv: X' = D^{-1/2} (A + I) D^{-1/2} X W + b
    h = x @ W
    msg = h[src] * norm[:, None]
    out = jnp.zeros((n_nodes, h.shape[1]), dtype=h.dtype).at[dst].add(msg)
    return out + b


def reference(x, edge_index, W1, b1, W2, b2):
    n_nodes = x.shape[0]
    loop = jnp.arange(n_nodes, dtype=edge_index.dtype)
    src = jnp.concatenate([edge_index[0], loop])
    dst = jnp.concatenate([edge_index[1], loop])
    deg = jnp.zeros((n_nodes,), dtype=x.dtype).at[dst].add(1.0)
    dinv = jnp.where(deg > 0, deg ** -0.5, 0.0)
    norm = dinv[src] * dinv[dst]
    h = _gcn_conv(x, src, dst, norm, W1, b1, n_nodes)
    h = jax.nn.relu(h)
    # dropout(p=0.5) is identity in eval mode
    out = _gcn_conv(h, src, dst, norm, W2, b2, n_nodes)
    return out

if __name__ == "__main__":
    import jax
    _d = setup_inputs()
    print(jax.jit(kernel)(*tuple(_d.values())))

</pallas_src>

<mosaic_0001>
#map = affine_map<(d0, d1) -> (0, 0)>
#map1 = affine_map<(d0, d1) -> (0, 0, 0, 0)>
#map2 = affine_map<(d0, d1) -> (0, 0, 0)>
module attributes {stable_mosaic.version = 14 : i64} {
  func.func @sc_scatter(%arg0: i32, %arg1: i32, %arg2: memref<10000x16xf32, #tpu.memory_space<hbm>>, %arg3: memref<2x32x10x1000xi32, #tpu.memory_space<hbm>>, %arg4: memref<2x10112x16xf32, #tpu.memory_space<hbm>>, %arg5: memref<10x1000xi32, #tpu.memory_space<vmem>>, %arg6: memref<10x1000xi32, #tpu.memory_space<vmem>>, %arg7: memref<2x2x1000x16xf32, #tpu.memory_space<vmem>>, %arg8: memref<632x16xf32, #tpu.memory_space<vmem>>, %arg9: memref<10000x16xf32, #tpu.memory_space<vmem_shared>>, %arg10: memref<10112x16xf32, #tpu.memory_space<vmem_shared>>, %arg11: memref<!tpu.dma_semaphore, #tpu.memory_space<semaphore_mem>>) attributes {dimension_semantics = [#tpu.dimension_semantics<core_parallel>, #tpu.dimension_semantics<subcore_parallel>], iteration_bounds = array<i64: 2, 16>, scalar_prefetch = 0 : i64, scratch_operands = 7 : i64, tpu.core_type = #tpu.core_type<sc_vector_subcore>, window_params = [{transform_indices = #map}, {transform_indices = #map1}, {transform_indices = #map2}]} {
    %mul3A = arith.constant 2 : i32
    %mul3A_0 = arith.muli %arg1, %mul3A : i32
    %add3A = arith.addi %mul3A_0, %arg0 : i32
    %scan3A = arith.constant 0 : i32
    %scan3A_1 = arith.constant 0 : i32
    %scan3A_2 = arith.constant 632 : i32
    %scan3A_3 = arith.addi %scan3A_1, %scan3A_2 : i32
    %scan3A_4 = arith.constant 8 : i32
    %scan3A_5 = scf.for %scan3A_53 = %scan3A_1 to %scan3A_3 step %scan3A_4 iter_args(%scan3A_54 = %scan3A) -> (i32)  : i32 {
      %broadcast_in_dim3A = arith.constant 0.000000e+00 : f32
      %broadcast_in_dim3A_55 = vector.broadcast %broadcast_in_dim3A : f32 to vector<16xf32>
      %swap3A = arith.index_cast %scan3A_53 : i32 to index
      %swap3A_56 = arith.constant 0 : index
      %swap3A_57 = tpu.vector_load %arg8[%swap3A, %swap3A_56] {strides = array<i32>} : memref<632x16xf32, #tpu.memory_space<vmem>>, vector<1x16xf32>,
      %swap3A_58 = vector.shape_cast %swap3A_57 : vector<1x16xf32> to vector<16xf32>
      %swap3A_59 = vector.shape_cast %broadcast_in_dim3A_55 : vector<16xf32> to vector<1x16xf32>
      tpu.vector_store %arg8[%swap3A, %swap3A_56], %swap3A_59 {strides = array<i32>} : memref<632x16xf32, #tpu.memory_space<vmem>>, vector<1x16xf32>,
      %scan3A_60 = arith.constant 0 : i32
      %scan3A_61 = arith.constant 1 : i32
      %scan3A_62 = arith.addi %scan3A_53, %scan3A_61 : i32
      %broadcast_in_dim3A_63 = arith.constant 0.000000e+00 : f32
      %broadcast_in_dim3A_64 = vector.broadcast %broadcast_in_dim3A_63 : f32 to vector<16xf32>
      %swap3A_65 = arith.index_cast %scan3A_62 : i32 to index
      %swap3A_66 = arith.constant 0 : index
      %swap3A_67 = tpu.vector_load %arg8[%swap3A_65, %swap3A_66] {strides = array<i32>} : memref<632x16xf32, #tpu.memory_space<vmem>>, vector<1x16xf32>,
      %swap3A_68 = vector.shape_cast %swap3A_67 : vector<1x16xf32> to vector<16xf32>
      %swap3A_69 = vector.shape_cast %broadcast_in_dim3A_64 : vector<16xf32> to vector<1x16xf32>
      tpu.vector_store %arg8[%swap3A_65, %swap3A_66], %swap3A_69 {strides = array<i32>} : memref<632x16xf32, #tpu.memory_space<vmem>>, vector<1x16xf32>,
      %scan3A_70 = arith.constant 0 : i32
      %scan3A_71 = arith.constant 2 : i32
      %scan3A_72 = arith.addi %scan3A_53, %scan3A_71 : i32
      %broadcast_in_dim3A_73 = arith.constant 0.000000e+00 : f32
      %broadcast_in_dim3A_74 = vector.broadcast %broadcast_in_dim3A_73 : f32 to vector<16xf32>
      %swap3A_75 = arith.index_cast %scan3A_72 : i32 to index
      %swap3A_76 = arith.constant 0 : index
      %swap3A_77 = tpu.vector_load %arg8[%swap3A_75, %swap3A_76] {strides = array<i32>} : memref<632x16xf32, #tpu.memory_space<vmem>>, vector<1x16xf32>,
      %swap3A_78 = vector.shape_cast %swap3A_77 : vector<1x16xf32> to vector<16xf32>
      %swap3A_79 = vector.shape_cast %broadcast_in_dim3A_74 : vector<16xf32> to vector<1x16xf32>
      tpu.vector_store %arg8[%swap3A_75, %swap3A_76], %swap3A_79 {strides = array<i32>} : memref<632x16xf32, #tpu.memory_space<vmem>>, vector<1x16xf32>,
      %scan3A_80 = arith.constant 0 : i32
      %scan3A_81 = arith.constant 3 : i32
      %scan3A_82 = arith.addi %scan3A_53, %scan3A_81 : i32
      %broadcast_in_dim3A_83 = arith.constant 0.000000e+00 : f32
      %broadcast_in_dim3A_84 = vector.broadcast %broadcast_in_dim3A_83 : f32 to vector<16xf32>
      %swap3A_85 = arith.index_cast %scan3A_82 : i32 to index
      %swap3A_86 = arith.constant 0 : index
      %swap3A_87 = tpu.vector_load %arg8[%swap3A_85, %swap3A_86] {strides = array<i32>} : memref<632x16xf32, #tpu.memory_space<vmem>>, vector<1x16xf32>,
      %swap3A_88 = vector.shape_cast %swap3A_87 : vector<1x16xf32> to vector<16xf32>
      %swap3A_89 = vector.shape_cast %broadcast_in_dim3A_84 : vector<16xf32> to vector<1x16xf32>
      tpu.vector_store %arg8[%swap3A_85, %swap3A_86], %swap3A_89 {strides = array<i32>} : memref<632x16xf32, #tpu.memory_space<vmem>>, vector<1x16xf32>,
      %scan3A_90 = arith.constant 0 : i32
      %scan3A_91 = arith.constant 4 : i32
      %scan3A_92 = arith.addi %scan3A_53, %scan3A_91 : i32
      %broadcast_in_dim3A_93 = arith.constant 0.000000e+00 : f32
      %broadcast_in_dim3A_94 = vector.broadcast %broadcast_in_dim3A_93 : f32 to vector<16xf32>
      %swap3A_95 = arith.index_cast %scan3A_92 : i32 to index
      %swap3A_96 = arith.constant 0 : index
      %swap3A_97 = tpu.vector_load %arg8[%swap3A_95, %swap3A_96] {strides = array<i32>} : memref<632x16xf32, #tpu.memory_space<vmem>>, vector<1x16xf32>,
      %swap3A_98 = vector.shape_cast %swap3A_97 : vector<1x16xf32> to vector<16xf32>
      %swap3A_99 = vector.shape_cast %broadcast_in_dim3A_94 : vector<16xf32> to vector<1x16xf32>
      tpu.vector_store %arg8[%swap3A_95, %swap3A_96], %swap3A_99 {strides = array<i32>} : memref<632x16xf32, #tpu.memory_space<vmem>>, vector<1x16xf32>,
      %scan3A_100 = arith.constant 0 : i32
      %scan3A_101 = arith.constant 5 : i32
      %scan3A_102 = arith.addi %scan3A_53, %scan3A_101 : i32
      %broadcast_in_dim3A_103 = arith.constant 0.000000e+00 : f32
      %broadcast_in_dim3A_104 = vector.broadcast %broadcast_in_dim3A_103 : f32 to vector<16xf32>
      %swap3A_105 = arith.index_cast %scan3A_102 : i32 to index
      %swap3A_106 = arith.constant 0 : index
      %swap3A_107 = tpu.vector_load %arg8[%swap3A_105, %swap3A_106] {strides = array<i32>} : memref<632x16xf32, #tpu.memory_space<vmem>>, vector<1x16xf32>,
      %swap3A_108 = vector.shape_cast %swap3A_107 : vector<1x16xf32> to vector<16xf32>
      %swap3A_109 = vector.shape_cast %broadcast_in_dim3A_104 : vector<16xf32> to vector<1x16xf32>
      tpu.vector_store %arg8[%swap3A_105, %swap3A_106], %swap3A_109 {strides = array<i32>} : memref<632x16xf32, #tpu.memory_space<vmem>>, vector<1x16xf32>,
      %scan3A_110 = arith.constant 0 : i32
      %scan3A_111 = arith.constant 6 : i32
      %scan3A_112 = arith.addi %scan3A_53, %scan3A_111 : i32
      %broadcast_in_dim3A_113 = arith.constant 0.000000e+00 : f32
      %broadcast_in_dim3A_114 = vector.broadcast %broadcast_in_dim3A_113 : f32 to vector<16xf32>
      %swap3A_115 = arith.index_cast %scan3A_112 : i32 to index
      %swap3A_116 = arith.constant 0 : index
      %swap3A_117 = tpu.vector_load %arg8[%swap3A_115, %swap3A_116] {strides = array<i32>} : memref<632x16xf32, #tpu.memory_space<vmem>>, vector<1x16xf32>,
      %swap3A_118 = vector.shape_cast %swap3A_117 : vector<1x16xf32> to vector<16xf32>
      %swap3A_119 = vector.shape_cast %broadcast_in_dim3A_114 : vector<16xf32> to vector<1x16xf32>
      tpu.vector_store %arg8[%swap3A_115, %swap3A_116], %swap3A_119 {strides = array<i32>} : memref<632x16xf32, #tpu.memory_space<vmem>>, vector<1x16xf32>,
      %scan3A_120 = arith.constant 0 : i32
      %scan3A_121 = arith.constant 7 : i32
      %scan3A_122 = arith.addi %scan3A_53, %scan3A_121 : i32
      %broadcast_in_dim3A_123 = arith.constant 0.000000e+00 : f32
      %broadcast_in_dim3A_124 = vector.broadcast %broadcast_in_dim3A_123 : f32 to vector<16xf32>
      %swap3A_125 = arith.index_cast %scan3A_122 : i32 to index
      %swap3A_126 = arith.constant 0 : index
      %swap3A_127 = tpu.vector_load %arg8[%swap3A_125, %swap3A_126] {strides = array<i32>} : memref<632x16xf32, #tpu.memory_space<vmem>>, vector<1x16xf32>,
      %swap3A_128 = vector.shape_cast %swap3A_127 : vector<1x16xf32> to vector<16xf32>
      %swap3A_129 = vector.shape_cast %broadcast_in_dim3A_124 : vector<16xf32> to vector<1x16xf32>
      tpu.vector_store %arg8[%swap3A_125, %swap3A_126], %swap3A_129 {strides = array<i32>} : memref<632x16xf32, #tpu.memory_space<vmem>>, vector<1x16xf32>,
      %scan3A_130 = arith.constant 0 : i32
      scf.yield %scan3A_130 : i32
    }
    %scan3A_6 = arith.constant 632 : i32
    %mul3A_7 = arith.constant 632 : i32
    %mul3A_8 = arith.muli %arg1, %mul3A_7 : i32
    "tpu.region"() ({
      %run_scoped3A_53 = tpu.sem_alloc : memref<!tpu.dma_semaphore, #tpu.memory_space<semaphore_mem>>
      %dma_start3A_54 = arith.constant 0 : i32
      %dma_start3A_55 = tpu.memref_slice %arg10[%mul3A_8, %dma_start3A_54] : memref<10112x16xf32, #tpu.memory_space<vmem_shared>> -> memref<632x16xf32, #tpu.memory_space<vmem_shared>>
      %dma_start3A_56 = arith.constant 0 : i32
      %dma_start3A_57 = tpu.memref_slice %arg10[%mul3A_8, %dma_start3A_56] : memref<10112x16xf32, #tpu.memory_space<vmem_shared>> -> memref<632x16xf32, #tpu.memory_space<vmem_shared>>
      tpu.enqueue_dma source(%arg8 : memref<632x16xf32, #tpu.memory_space<vmem>>) target(%dma_start3A_57 : memref<632x16xf32, #tpu.memory_space<vmem_shared>>) target_semaphore(%run_scoped3A_53 : memref<!tpu.dma_semaphore, #tpu.memory_space<semaphore_mem>>)
      %dma_wait3A = arith.constant 0 : i32
      %dma_wait3A_58 = tpu.memref_slice %arg10[%mul3A_8, %dma_wait3A] : memref<10112x16xf32, #tpu.memory_space<vmem_shared>> -> memref<632x16xf32, #tpu.memory_space<vmem_shared>>
      %dma_wait3A_59 = arith.constant 0 : i32
      %dma_wait3A_60 = tpu.memref_slice %arg10[%mul3A_8, %dma_wait3A_59] : memref<10112x16xf32, #tpu.memory_space<vmem_shared>> -> memref<632x16xf32, #tpu.memory_space<vmem_shared>>
      tpu.wait_dma2 semaphore(%run_scoped3A_53 : memref<!tpu.dma_semaphore, #tpu.memory_space<semaphore_mem>>) src(%arg8 : memref<632x16xf32, #tpu.memory_space<vmem>>) dst(%dma_wait3A_60 : memref<632x16xf32, #tpu.memory_space<vmem_shared>>)
      tpu.yield
    }) : () -> ()
    %lt3A = arith.constant 15 : i32
    %lt3A_9 = arith.cmpi slt, %arg1, %lt3A : i32
    %convert_element_type3A = arith.extui %lt3A_9 : i1 to i32
    %cond3A = arith.constant 0 : i32
    %cond3A_10 = arith.cmpi ne, %convert_element_type3A, %cond3A : i32
    scf.if %cond3A_10 {
      %mul3A_53 = arith.constant 632 : i32
      %mul3A_54 = arith.muli %arg1, %mul3A_53 : i32
      %mul3A_55 = arith.constant 632 : i32
      %mul3A_56 = arith.muli %arg1, %mul3A_55 : i32
      "tpu.region"() ({
        %run_scoped3A_57 = tpu.sem_alloc : memref<!tpu.dma_semaphore, #tpu.memory_space<semaphore_mem>>
        %dma_start3A_58 = arith.constant 0 : i32
        %dma_start3A_59 = tpu.memref_slice %arg9[%mul3A_56, %dma_start3A_58] : memref<10000x16xf32, #tpu.memory_space<vmem_shared>> -> memref<632x16xf32, #tpu.memory_space<vmem_shared>>
        %dma_start3A_60 = arith.constant 0 : i32
        %dma_start3A_61 = tpu.memref_slice %arg2[%mul3A_54, %dma_start3A_60] : memref<10000x16xf32, #tpu.memory_space<hbm>> -> memref<632x16xf32, #tpu.memory_space<hbm>>
        tpu.enqueue_dma source(%dma_start3A_61 : memref<632x16xf32, #tpu.memory_space<hbm>>) target(%dma_start3A_59 : memref<632x16xf32, #tpu.memory_space<vmem_shared>>) target_semaphore(%run_scoped3A_57 : memref<!tpu.dma_semaphore, #tpu.memory_space<semaphore_mem>>)
        %dma_wait3A = arith.constant 0 : i32
        %dma_wait3A_62 = tpu.memref_slice %arg9[%mul3A_56, %dma_wait3A] : memref<10000x16xf32, #tpu.memory_space<vmem_shared>> -> memref<632x16xf32, #tpu.memory_space<vmem_shared>>
        %dma_wait3A_63 = arith.constant 0 : i32
        %dma_wait3A_64 = tpu.memref_slice %arg2[%mul3A_54, %dma_wait3A_63] : memref<10000x16xf32, #tpu.memory_space<hbm>> -> memref<632x16xf32, #tpu.memory_space<hbm>>
        tpu.wait_dma2 semaphore(%run_scoped3A_57 : memref<!tpu.dma_semaphore, #tpu.memory_space<semaphore_mem>>) src(%dma_wait3A_64 : memref<632x16xf32, #tpu.memory_space<hbm>>) dst(%dma_wait3A_62 : memref<632x16xf32, #tpu.memory_space<vmem_shared>>)
        tpu.yield
      }) : () -> ()
    } else {
    }
    %eq3A = arith.constant 15 : i32
    %eq3A_11 = arith.cmpi eq, %arg1, %eq3A : i32
    %convert_element_type3A_12 = arith.extui %eq3A_11 : i1 to i32
    %cond3A_13 = arith.constant 0 : i32
    %cond3A_14 = arith.cmpi ne, %convert_element_type3A_12, %cond3A_13 : i32
    scf.if %cond3A_14 {
      "tpu.region"() ({
        %run_scoped3A_53 = tpu.sem_alloc : memref<!tpu.dma_semaphore, #tpu.memory_space<semaphore_mem>>
        %dma_start3A_54 = arith.constant 9480 : i32
        %dma_start3A_55 = arith.constant 0 : i32
        %dma_start3A_56 = tpu.memref_slice %arg9[%dma_start3A_54, %dma_start3A_55] : memref<10000x16xf32, #tpu.memory_space<vmem_shared>> -> memref<520x16xf32, #tpu.memory_space<vmem_shared>>
        %dma_start3A_57 = arith.constant 9480 : i32
        %dma_start3A_58 = arith.constant 0 : i32
        %dma_start3A_59 = tpu.memref_slice %arg2[%dma_start3A_57, %dma_start3A_58] : memref<10000x16xf32, #tpu.memory_space<hbm>> -> memref<520x16xf32, #tpu.memory_space<hbm>>
        tpu.enqueue_dma source(%dma_start3A_59 : memref<520x16xf32, #tpu.memory_space<hbm>>) target(%dma_start3A_56 : memref<520x16xf32, #tpu.memory_space<vmem_shared>>) target_semaphore(%run_scoped3A_53 : memref<!tpu.dma_semaphore, #tpu.memory_space<semaphore_mem>>)
        %dma_wait3A = arith.constant 9480 : i32
        %dma_wait3A_60 = arith.constant 0 : i32
        %dma_wait3A_61 = tpu.memref_slice %arg9[%dma_wait3A, %dma_wait3A_60] : memref<10000x16xf32, #tpu.memory_space<vmem_shared>> -> memref<520x16xf32, #tpu.memory_space<vmem_shared>>
        %dma_wait3A_62 = arith.constant 9480 : i32
        %dma_wait3A_63 = arith.constant 0 : i32
        %dma_wait3A_64 = tpu.memref_slice %arg2[%dma_wait3A_62, %dma_wait3A_63] : memref<10000x16xf32, #tpu.memory_space<hbm>> -> memref<520x16xf32, #tpu.memory_space<hbm>>
        tpu.wait_dma2 semaphore(%run_scoped3A_53 : memref<!tpu.dma_semaphore, #tpu.memory_space<semaphore_mem>>) src(%dma_wait3A_64 : memref<520x16xf32, #tpu.memory_space<hbm>>) dst(%dma_wait3A_61 : memref<520x16xf32, #tpu.memory_space<vmem_shared>>)
        tpu.yield
      }) : () -> ()
    } else {
    }
    %run_scoped3A = arith.constant 0 : i32
    "tpu.region"() ({
      %run_scoped3A_53 = tpu.sem_alloc : memref<!tpu.dma_semaphore, #tpu.memory_space<semaphore_mem>>
      %dma_start3A_54 = arith.constant 0 : i32
      %dma_start3A_55 = arith.constant 0 : i32
      %dma_start3A_56 = tpu.memref_slice %arg3[%run_scoped3A, %add3A, %dma_start3A_54, %dma_start3A_55] : memref<2x32x10x1000xi32, #tpu.memory_space<hbm>> -> memref<1x1x10x1000xi32, #tpu.memory_space<hbm>>
      %dma_start3A_57 = tpu.memref_squeeze %dma_start3A_56 : memref<1x1x10x1000xi32, #tpu.memory_space<hbm>> -> memref<10x1000xi32, #tpu.memory_space<hbm>>
      %dma_start3A_58 = arith.constant 0 : i32
      %dma_start3A_59 = arith.constant 0 : i32
      %dma_start3A_60 = tpu.memref_slice %arg3[%run_scoped3A, %add3A, %dma_start3A_58, %dma_start3A_59] : memref<2x32x10x1000xi32, #tpu.memory_space<hbm>> -> memref<1x1x10x1000xi32, #tpu.memory_space<hbm>>
      %dma_start3A_61 = tpu.memref_squeeze %dma_start3A_60 : memref<1x1x10x1000xi32, #tpu.memory_space<hbm>> -> memref<10x1000xi32, #tpu.memory_space<hbm>>
      tpu.enqueue_dma source(%dma_start3A_61 : memref<10x1000xi32, #tpu.memory_space<hbm>>) target(%arg5 : memref<10x1000xi32, #tpu.memory_space<vmem>>) target_semaphore(%run_scoped3A_53 : memref<!tpu.dma_semaphore, #tpu.memory_space<semaphore_mem>>)
      %dma_wait3A = arith.constant 0 : i32
      %dma_wait3A_62 = arith.constant 0 : i32
      %dma_wait3A_63 = tpu.memref_slice %arg3[%run_scoped3A, %add3A, %dma_wait3A, %dma_wait3A_62] : memref<2x32x10x1000xi32, #tpu.memory_space<hbm>> -> memref<1x1x10x1000xi32, #tpu.memory_space<hbm>>
      %dma_wait3A_64 = tpu.memref_squeeze %dma_wait3A_63 : memref<1x1x10x1000xi32, #tpu.memory_space<hbm>> -> memref<10x1000xi32, #tpu.memory_space<hbm>>
      %dma_wait3A_65 = arith.constant 0 : i32
      %dma_wait3A_66 = arith.constant 0 : i32
      %dma_wait3A_67 = tpu.memref_slice %arg3[%run_scoped3A, %add3A, %dma_wait3A_65, %dma_wait3A_66] : memref<2x32x10x1000xi32, #tpu.memory_space<hbm>> -> memref<1x1x10x1000xi32, #tpu.memory_space<hbm>>
      %dma_wait3A_68 = tpu.memref_squeeze %dma_wait3A_67 : memref<1x1x10x1000xi32, #tpu.memory_space<hbm>> -> memref<10x1000xi32, #tpu.memory_space<hbm>>
      tpu.wait_dma2 semaphore(%run_scoped3A_53 : memref<!tpu.dma_semaphore, #tpu.memory_space<semaphore_mem>>) src(%dma_wait3A_68 : memref<10x1000xi32, #tpu.memory_space<hbm>>) dst(%arg5 : memref<10x1000xi32, #tpu.memory_space<vmem>>)
      tpu.yield
    }) : () -> ()
    %run_scoped3A_15 = arith.constant 1 : i32
    "tpu.region"() ({
      %run_scoped3A_53 = tpu.sem_alloc : memref<!tpu.dma_semaphore, #tpu.memory_space<semaphore_mem>>
      %dma_start3A_54 = arith.constant 0 : i32
      %dma_start3A_55 = arith.constant 0 : i32
      %dma_start3A_56 = tpu.memref_slice %arg3[%run_scoped3A_15, %add3A, %dma_start3A_54, %dma_start3A_55] : memref<2x32x10x1000xi32, #tpu.memory_space<hbm>> -> memref<1x1x10x1000xi32, #tpu.memory_space<hbm>>
      %dma_start3A_57 = tpu.memref_squeeze %dma_start3A_56 : memref<1x1x10x1000xi32, #tpu.memory_space<hbm>> -> memref<10x1000xi32, #tpu.memory_space<hbm>>
      %dma_start3A_58 = arith.constant 0 : i32
      %dma_start3A_59 = arith.constant 0 : i32
      %dma_start3A_60 = tpu.memref_slice %arg3[%run_scoped3A_15, %add3A, %dma_start3A_58, %dma_start3A_59] : memref<2x32x10x1000xi32, #tpu.memory_space<hbm>> -> memref<1x1x10x1000xi32, #tpu.memory_space<hbm>>
      %dma_start3A_61 = tpu.memref_squeeze %dma_start3A_60 : memref<1x1x10x1000xi32, #tpu.memory_space<hbm>> -> memref<10x1000xi32, #tpu.memory_space<hbm>>
      tpu.enqueue_dma source(%dma_start3A_61 : memref<10x1000xi32, #tpu.memory_space<hbm>>) target(%arg6 : memref<10x1000xi32, #tpu.memory_space<vmem>>) target_semaphore(%run_scoped3A_53 : memref<!tpu.dma_semaphore, #tpu.memory_space<semaphore_mem>>)
      %dma_wait3A = arith.constant 0 : i32
      %dma_wait3A_62 = arith.constant 0 : i32
      %dma_wait3A_63 = tpu.memref_slice %arg3[%run_scoped3A_15, %add3A, %dma_wait3A, %dma_wait3A_62] : memref<2x32x10x1000xi32, #tpu.memory_space<hbm>> -> memref<1x1x10x1000xi32, #tpu.memory_space<hbm>>
      %dma_wait3A_64 = tpu.memref_squeeze %dma_wait3A_63 : memref<1x1x10x1000xi32, #tpu.memory_space<hbm>> -> memref<10x1000xi32, #tpu.memory_space<hbm>>
      %dma_wait3A_65 = arith.constant 0 : i32
      %dma_wait3A_66 = arith.constant 0 : i32
      %dma_wait3A_67 = tpu.memref_slice %arg3[%run_scoped3A_15, %add3A, %dma_wait3A_65, %dma_wait3A_66] : memref<2x32x10x1000xi32, #tpu.memory_space<hbm>> -> memref<1x1x10x1000xi32, #tpu.memory_space<hbm>>
      %dma_wait3A_68 = tpu.memref_squeeze %dma_wait3A_67 : memref<1x1x10x1000xi32, #tpu.memory_space<hbm>> -> memref<10x1000xi32, #tpu.memory_space<hbm>>
      tpu.wait_dma2 semaphore(%run_scoped3A_53 : memref<!tpu.dma_semaphore, #tpu.memory_space<semaphore_mem>>) src(%dma_wait3A_68 : memref<10x1000xi32, #tpu.memory_space<hbm>>) dst(%arg6 : memref<10x1000xi32, #tpu.memory_space<vmem>>)
      tpu.yield
    }) : () -> ()
    %barrier3A = arith.constant 0 : index
    tpu.barrier barrier_id(%barrier3A)
    %dma_start3A = arith.constant 0 : i32
    %dma_start3A_16 = arith.constant 0 : i32
    %dma_start3A_17 = arith.constant 0 : i32
    %dma_start3A_18 = arith.constant 0 : i32
    %dma_start3A_19 = arith.constant 0 : i32
    %dma_start3A_20 = tpu.memref_slice %arg7[%dma_start3A_16, %dma_start3A_17, %dma_start3A_18, %dma_start3A_19] : memref<2x2x1000x16xf32, #tpu.memory_space<vmem>> -> memref<1x1x1000x16xf32, #tpu.memory_space<vmem>>
    %dma_start3A_21 = tpu.memref_squeeze %dma_start3A_20 : memref<1x1x1000x16xf32, #tpu.memory_space<vmem>> -> memref<1000x16xf32, #tpu.memory_space<vmem>>
    %dma_start3A_22 = arith.constant 0 : i32
    %dma_start3A_23 = tpu.memref_slice %arg5[%dma_start3A, %dma_start3A_22] : memref<10x1000xi32, #tpu.memory_space<vmem>> -> memref<1x1000xi32, #tpu.memory_space<vmem>>
    %dma_start3A_24 = tpu.memref_squeeze %dma_start3A_23 : memref<1x1000xi32, #tpu.memory_space<vmem>> -> memref<1000xi32, #tpu.memory_space<vmem>>
    %dma_start3A_25 = arith.constant 0 : i32
    %dma_start3A_26 = arith.constant 0 : i32
    %dma_start3A_27 = tpu.memref_slice %arg9[%dma_start3A_25, %dma_start3A_26] : memref<10000x16xf32, #tpu.memory_space<vmem_shared>> -> memref<10000x16xf32, #tpu.memory_space<vmem_shared>>
    tpu.enqueue_indirect_dma source(%dma_start3A_27 : memref<10000x16xf32, #tpu.memory_space<vmem_shared>>) target(%dma_start3A_21 : memref<1000x16xf32, #tpu.memory_space<vmem>>) offsets(%dma_start3A_24 : memref<1000xi32, #tpu.memory_space<vmem>>) semaphore(%arg11 : memref<!tpu.dma_semaphore, #tpu.memory_space<semaphore_mem>>)
    %dma_start3A_28 = arith.constant 1 : i32
    %dma_start3A_29 = arith.constant 0 : i32
    %dma_start3A_30 = arith.constant 1 : i32
    %dma_start3A_31 = arith.constant 0 : i32
    %dma_start3A_32 = arith.constant 0 : i32
    %dma_start3A_33 = tpu.memref_slice %arg7[%dma_start3A_29, %dma_start3A_30, %dma_start3A_31, %dma_start3A_32] : memref<2x2x1000x16xf32, #tpu.memory_space<vmem>> -> memref<1x1x1000x16xf32, #tpu.memory_space<vmem>>
    %dma_start3A_34 = tpu.memref_squeeze %dma_start3A_33 : memref<1x1x1000x16xf32, #tpu.memory_space<vmem>> -> memref<1000x16xf32, #tpu.memory_space<vmem>>
    %dma_start3A_35 = arith.constant 0 : i32
    %dma_start3A_36 = tpu.memref_slice %arg5[%dma_start3A_28, %dma_start3A_35] : memref<10x1000xi32, #tpu.memory_space<vmem>> -> memref<1x1000xi32, #tpu.memory_space<vmem>>
    %dma_start3A_37 = tpu.memref_squeeze %dma_start3A_36 : memref<1x1000xi32, #tpu.memory_space<vmem>> -> memref<1000xi32, #tpu.memory_space<vmem>>
    %dma_start3A_38 = arith.constant 0 : i32
    %dma_start3A_39 = arith.constant 0 : i32
    %dma_start3A_40 = tpu.memref_slice %arg9[%dma_start3A_38, %dma_start3A_39] : memref<10000x16xf32, #tpu.memory_space<vmem_shared>> -> memref<10000x16xf32, #tpu.memory_space<vmem_shared>>
    tpu.enqueue_indirect_dma source(%dma_start3A_40 : memref<10000x16xf32, #tpu.memory_space<vmem_shared>>) target(%dma_start3A_34 : memref<1000x16xf32, #tpu.memory_space<vmem>>) offsets(%dma_start3A_37 : memref<1000xi32, #tpu.memory_space<vmem>>) semaphore(%arg11 : memref<!tpu.dma_semaphore, #tpu.memory_space<semaphore_mem>>)
    %scan3A_41 = arith.constant 0 : i32
    %scan3A_42 = arith.constant 0 : i32
    %scan3A_43 = arith.constant 5 : i32
    %scan3A_44 = arith.addi %scan3A_42, %scan3A_43 : i32
    %scan3A_45 = arith.constant 1 : i32
    %scan3A_46 = scf.for %scan3A_53 = %scan3A_42 to %scan3A_44 step %scan3A_45 iter_args(%scan3A_54 = %scan3A_41) -> (i32)  : i32 {
      %rem3A = arith.constant 2 : i32
      %rem3A_55 = arith.remsi %scan3A_53, %rem3A : i32
      %dma_wait3A = arith.constant 0 : i32
      %dma_wait3A_56 = arith.constant 0 : i32
      %dma_wait3A_57 = arith.constant 0 : i32
      %dma_wait3A_58 = tpu.memref_slice %arg7[%rem3A_55, %dma_wait3A, %dma_wait3A_56, %dma_wait3A_57] : memref<2x2x1000x16xf32, #tpu.memory_space<vmem>> -> memref<1x1x1000x16xf32, #tpu.memory_space<vmem>>
      %dma_wait3A_59 = tpu.memref_squeeze %dma_wait3A_58 : memref<1x1x1000x16xf32, #tpu.memory_space<vmem>> -> memref<1000x16xf32, #tpu.memory_space<vmem>>
      %dma_wait3A_60 = arith.constant 0 : i32
      %dma_wait3A_61 = arith.constant 0 : i32
      %dma_wait3A_62 = tpu.memref_slice %arg2[%dma_wait3A_60, %dma_wait3A_61] : memref<10000x16xf32, #tpu.memory_space<hbm>> -> memref<1000x16xf32, #tpu.memory_space<hbm>>
      %dma_wait3A_63 = arith.constant 0 : i32
      %dma_wait3A_64 = arith.constant 0 : i32
      %dma_wait3A_65 = tpu.memref_slice %arg7[%rem3A_55, %dma_wait3A, %dma_wait3A_63, %dma_wait3A_64] : memref<2x2x1000x16xf32, #tpu.memory_space<vmem>> -> memref<1x1x1000x16xf32, #tpu.memory_space<vmem>>
      %dma_wait3A_66 = tpu.memref_squeeze %dma_wait3A_65 : memref<1x1x1000x16xf32, #tpu.memory_space<vmem>> -> memref<1000x16xf32, #tpu.memory_space<vmem>>
      %dma_wait3A_67 = arith.constant 0 : i32
      %dma_wait3A_68 = arith.constant 0 : i32
      %dma_wait3A_69 = tpu.memref_slice %arg2[%dma_wait3A_67, %dma_wait3A_68] : memref<10000x16xf32, #tpu.memory_space<hbm>> -> memref<1000x16xf32, #tpu.memory_space<hbm>>
      tpu.wait_dma2 semaphore(%arg11 : memref<!tpu.dma_semaphore, #tpu.memory_space<semaphore_mem>>) src(%dma_wait3A_69 : memref<1000x16xf32, #tpu.memory_space<hbm>>) dst(%dma_wait3A_66 : memref<1000x16xf32, #tpu.memory_space<vmem>>)
      %dma_wait3A_70 = arith.constant 1 : i32
      %dma_wait3A_71 = arith.constant 0 : i32
      %dma_wait3A_72 = arith.constant 0 : i32
      %dma_wait3A_73 = tpu.memref_slice %arg7[%rem3A_55, %dma_wait3A_70, %dma_wait3A_71, %dma_wait3A_72] : memref<2x2x1000x16xf32, #tpu.memory_space<vmem>> -> memref<1x1x1000x16xf32, #tpu.memory_space<vmem>>
      %dma_wait3A_74 = tpu.memref_squeeze %dma_wait3A_73 : memref<1x1x1000x16xf32, #tpu.memory_space<vmem>> -> memref<1000x16xf32, #tpu.memory_space<vmem>>
      %dma_wait3A_75 = arith.constant 0 : i32
      %dma_wait3A_76 = arith.constant 0 : i32
      %dma_wait3A_77 = tpu.memref_slice %arg2[%dma_wait3A_75, %dma_wait3A_76] : memref<10000x16xf32, #tpu.memory_space<hbm>> -> memref<1000x16xf32, #tpu.memory_space<hbm>>
      %dma_wait3A_78 = arith.constant 0 : i32
      %dma_wait3A_79 = arith.constant 0 : i32
      %dma_wait3A_80 = tpu.memref_slice %arg7[%rem3A_55, %dma_wait3A_70, %dma_wait3A_78, %dma_wait3A_79] : memref<2x2x1000x16xf32, #tpu.memory_space<vmem>> -> memref<1x1x1000x16xf32, #tpu.memory_space<vmem>>
      %dma_wait3A_81 = tpu.memref_squeeze %dma_wait3A_80 : memref<1x1x1000x16xf32, #tpu.memory_space<vmem>> -> memref<1000x16xf32, #tpu.memory_space<vmem>>
      %dma_wait3A_82 = arith.constant 0 : i32
      %dma_wait3A_83 = arith.constant 0 : i32
      %dma_wait3A_84 = tpu.memref_slice %arg2[%dma_wait3A_82, %dma_wait3A_83] : memref<10000x16xf32, #tpu.memory_space<hbm>> -> memref<1000x16xf32, #tpu.memory_space<hbm>>
      tpu.wait_dma2 semaphore(%arg11 : memref<!tpu.dma_semaphore, #tpu.memory_space<semaphore_mem>>) src(%dma_wait3A_84 : memref<1000x16xf32, #tpu.memory_space<hbm>>) dst(%dma_wait3A_81 : memref<1000x16xf32, #tpu.memory_space<vmem>>)
      %add3A_85 = arith.constant 1 : i32
      %add3A_86 = arith.addi %scan3A_53, %add3A_85 : i32
      %lt3A_87 = arith.constant 5 : i32
      %lt3A_88 = arith.cmpi slt, %add3A_86, %lt3A_87 : i32
      %convert_element_type3A_89 = arith.extui %lt3A_88 : i1 to i32
      %cond3A_90 = arith.constant 0 : i32
      %cond3A_91 = arith.cmpi ne, %convert_element_type3A_89, %cond3A_90 : i32
      scf.if %cond3A_91 {
        %add3A_103 = arith.constant 1 : i32
        %add3A_104 = arith.addi %scan3A_53, %add3A_103 : i32
        %mul3A_105 = arith.constant 2 : i32
        %mul3A_106 = arith.muli %add3A_104, %mul3A_105 : i32
        %add3A_107 = arith.constant 0 : i32
        %add3A_108 = arith.addi %mul3A_106, %add3A_107 : i32
        %sub3A = arith.constant 1 : i32
        %sub3A_109 = arith.subi %sub3A, %rem3A_55 : i32
        %dma_start3A_110 = arith.constant 0 : i32
        %dma_start3A_111 = arith.constant 0 : i32
        %dma_start3A_112 = arith.constant 0 : i32
        %dma_start3A_113 = tpu.memref_slice %arg7[%sub3A_109, %dma_start3A_110, %dma_start3A_111, %dma_start3A_112] : memref<2x2x1000x16xf32, #tpu.memory_space<vmem>> -> memref<1x1x1000x16xf32, #tpu.memory_space<vmem>>
        %dma_start3A_114 = tpu.memref_squeeze %dma_start3A_113 : memref<1x1x1000x16xf32, #tpu.memory_space<vmem>> -> memref<1000x16xf32, #tpu.memory_space<vmem>>
        %dma_start3A_115 = arith.constant 0 : i32
        %dma_start3A_116 = tpu.memref_slice %arg5[%add3A_108, %dma_start3A_115] : memref<10x1000xi32, #tpu.memory_space<vmem>> -> memref<1x1000xi32, #tpu.memory_space<vmem>>
        %dma_start3A_117 = tpu.memref_squeeze %dma_start3A_116 : memref<1x1000xi32, #tpu.memory_space<vmem>> -> memref<1000xi32, #tpu.memory_space<vmem>>
        %dma_start3A_118 = arith.constant 0 : i32
        %dma_start3A_119 = arith.constant 0 : i32
        %dma_start3A_120 = tpu.memref_slice %arg9[%dma_start3A_118, %dma_start3A_119] : memref<10000x16xf32, #tpu.memory_space<vmem_shared>> -> memref<10000x16xf32, #tpu.memory_space<vmem_shared>>
        tpu.enqueue_indirect_dma source(%dma_start3A_120 : memref<10000x16xf32, #tpu.memory_space<vmem_shared>>) target(%dma_start3A_114 : memref<1000x16xf32, #tpu.memory_space<vmem>>) offsets(%dma_start3A_117 : memref<1000xi32, #tpu.memory_space<vmem>>) semaphore(%arg11 : memref<!tpu.dma_semaphore, #tpu.memory_space<semaphore_mem>>)
        %add3A_121 = arith.constant 1 : i32
        %add3A_122 = arith.addi %scan3A_53, %add3A_121 : i32
        %mul3A_123 = arith.constant 2 : i32
        %mul3A_124 = arith.muli %add3A_122, %mul3A_123 : i32
        %add3A_125 = arith.constant 1 : i32
        %add3A_126 = arith.addi %mul3A_124, %add3A_125 : i32
        %sub3A_127 = arith.constant 1 : i32
        %sub3A_128 = arith.subi %sub3A_127, %rem3A_55 : i32
        %dma_start3A_129 = arith.constant 1 : i32
        %dma_start3A_130 = arith.constant 0 : i32
        %dma_start3A_131 = arith.constant 0 : i32
        %dma_start3A_132 = tpu.memref_slice %arg7[%sub3A_128, %dma_start3A_129, %dma_start3A_130, %dma_start3A_131] : memref<2x2x1000x16xf32, #tpu.memory_space<vmem>> -> memref<1x1x1000x16xf32, #tpu.memory_space<vmem>>
        %dma_start3A_133 = tpu.memref_squeeze %dma_start3A_132 : memref<1x1x1000x16xf32, #tpu.memory_space<vmem>> -> memref<1000x16xf32, #tpu.memory_space<vmem>>
        %dma_start3A_134 = arith.constant 0 : i32
        %dma_start3A_135 = tpu.memref_slice %arg5[%add3A_126, %dma_start3A_134] : memref<10x1000xi32, #tpu.memory_space<vmem>> -> memref<1x1000xi32, #tpu.memory_space<vmem>>
        %dma_start3A_136 = tpu.memref_squeeze %dma_start3A_135 : memref<1x1000xi32, #tpu.memory_space<vmem>> -> memref<1000xi32, #tpu.memory_space<vmem>>
        %dma_start3A_137 = arith.constant 0 : i32
        %dma_start3A_138 = arith.constant 0 : i32
        %dma_start3A_139 = tpu.memref_slice %arg9[%dma_start3A_137, %dma_start3A_138] : memref<10000x16xf32, #tpu.memory_space<vmem_shared>> -> memref<10000x16xf32, #tpu.memory_space<vmem_shared>>
        tpu.enqueue_indirect_dma source(%dma_start3A_139 : memref<10000x16xf32, #tpu.memory_space<vmem_shared>>) target(%dma_start3A_133 : memref<1000x16xf32, #tpu.memory_space<vmem>>) offsets(%dma_start3A_136 : memref<1000xi32, #tpu.memory_space<vmem>>) semaphore(%arg11 : memref<!tpu.dma_semaphore, #tpu.memory_space<semaphore_mem>>)
      } else {
      }
      %mul3A_92 = arith.constant 2 : i32
      %mul3A_93 = arith.muli %scan3A_53, %mul3A_92 : i32
      %add3A_94 = arith.constant 0 : i32
      %add3A_95 = arith.addi %mul3A_93, %add3A_94 : i32
      %run_scoped3A_96 = arith.constant 0 : i32
      "tpu.region"() ({
        %run_scoped3A_103 = tpu.sem_alloc : memref<!tpu.dma_semaphore, #tpu.memory_space<semaphore_mem>>
        %dma_start3A_104 = arith.constant 0 : i32
        %dma_start3A_105 = arith.constant 0 : i32
        %dma_start3A_106 = tpu.memref_slice %arg7[%rem3A_55, %run_scoped3A_96, %dma_start3A_104, %dma_start3A_105] : memref<2x2x1000x16xf32, #tpu.memory_space<vmem>> -> memref<1x1x1000x16xf32, #tpu.memory_space<vmem>>
        %dma_start3A_107 = tpu.memref_squeeze %dma_start3A_106 : memref<1x1x1000x16xf32, #tpu.memory_space<vmem>> -> memref<1000x16xf32, #tpu.memory_space<vmem>>
        %dma_start3A_108 = arith.constant 0 : i32
        %dma_start3A_109 = tpu.memref_slice %arg6[%add3A_95, %dma_start3A_108] : memref<10x1000xi32, #tpu.memory_space<vmem>> -> memref<1x1000xi32, #tpu.memory_space<vmem>>
        %dma_start3A_110 = tpu.memref_squeeze %dma_start3A_109 : memref<1x1000xi32, #tpu.memory_space<vmem>> -> memref<1000xi32, #tpu.memory_space<vmem>>
        %dma_start3A_111 = arith.constant 0 : i32
        %dma_start3A_112 = arith.constant 0 : i32
        %dma_start3A_113 = tpu.memref_slice %arg10[%dma_start3A_111, %dma_start3A_112] : memref<10112x16xf32, #tpu.memory_space<vmem_shared>> -> memref<10112x16xf32, #tpu.memory_space<vmem_shared>>
        tpu.enqueue_indirect_dma source(%dma_start3A_107 : memref<1000x16xf32, #tpu.memory_space<vmem>>) target(%dma_start3A_113 : memref<10112x16xf32, #tpu.memory_space<vmem_shared>>) offsets(%dma_start3A_110 : memref<1000xi32, #tpu.memory_space<vmem>>) semaphore(%run_scoped3A_103 : memref<!tpu.dma_semaphore, #tpu.memory_space<semaphore_mem>>) {add = true}
        %dma_wait3A_114 = arith.constant 0 : i32
        %dma_wait3A_115 = arith.constant 0 : i32
        %dma_wait3A_116 = tpu.memref_slice %arg7[%rem3A_55, %run_scoped3A_96, %dma_wait3A_114, %dma_wait3A_115] : memref<2x2x1000x16xf32, #tpu.memory_space<vmem>> -> memref<1x1x1000x16xf32, #tpu.memory_space<vmem>>
        %dma_wait3A_117 = tpu.memref_squeeze %dma_wait3A_116 : memref<1x1x1000x16xf32, #tpu.memory_space<vmem>> -> memref<1000x16xf32, #tpu.memory_space<vmem>>
        %dma_wait3A_118 = arith.constant 0 : i32
        %dma_wait3A_119 = tpu.memref_slice %arg6[%add3A_95, %dma_wait3A_118] : memref<10x1000xi32, #tpu.memory_space<vmem>> -> memref<1x1000xi32, #tpu.memory_space<vmem>>
        %dma_wait3A_120 = tpu.memref_squeeze %dma_wait3A_119 : memref<1x1000xi32, #tpu.memory_space<vmem>> -> memref<1000xi32, #tpu.memory_space<vmem>>
        %dma_wait3A_121 = arith.constant 0 : i32
        %dma_wait3A_122 = arith.constant 0 : i32
        %dma_wait3A_123 = tpu.memref_slice %arg10[%dma_wait3A_121, %dma_wait3A_122] : memref<10112x16xf32, #tpu.memory_space<vmem_shared>> -> memref<10112x16xf32, #tpu.memory_space<vmem_shared>>
        tpu.wait_indirect_dma semaphore(%run_scoped3A_103 : memref<!tpu.dma_semaphore, #tpu.memory_space<semaphore_mem>>) src(%dma_wait3A_117 : memref<1000x16xf32, #tpu.memory_space<vmem>>) dst(%dma_wait3A_123 : memref<10112x16xf32, #tpu.memory_space<vmem_shared>>)
        tpu.yield
      }) : () -> ()
      %mul3A_97 = arith.constant 2 : i32
      %mul3A_98 = arith.muli %scan3A_53, %mul3A_97 : i32
      %add3A_99 = arith.constant 1 : i32
      %add3A_100 = arith.addi %mul3A_98, %add3A_99 : i32
      %run_scoped3A_101 = arith.constant 1 : i32
      "tpu.region"() ({
        %run_scoped3A_103 = tpu.sem_alloc : memref<!tpu.dma_semaphore, #tpu.memory_space<semaphore_mem>>
        %dma_start3A_104 = arith.constant 0 : i32
        %dma_start3A_105 = arith.constant 0 : i32
        %dma_start3A_106 = tpu.memref_slice %arg7[%rem3A_55, %run_scoped3A_101, %dma_start3A_104, %dma_start3A_105] : memref<2x2x1000x16xf32, #tpu.memory_space<vmem>> -> memref<1x1x1000x16xf32, #tpu.memory_space<vmem>>
        %dma_start3A_107 = tpu.memref_squeeze %dma_start3A_106 : memref<1x1x1000x16xf32, #tpu.memory_space<vmem>> -> memref<1000x16xf32, #tpu.memory_space<vmem>>
        %dma_start3A_108 = arith.constant 0 : i32
        %dma_start3A_109 = tpu.memref_slice %arg6[%add3A_100, %dma_start3A_108] : memref<10x1000xi32, #tpu.memory_space<vmem>> -> memref<1x1000xi32, #tpu.memory_space<vmem>>
        %dma_start3A_110 = tpu.memref_squeeze %dma_start3A_109 : memref<1x1000xi32, #tpu.memory_space<vmem>> -> memref<1000xi32, #tpu.memory_space<vmem>>
        %dma_start3A_111 = arith.constant 0 : i32
        %dma_start3A_112 = arith.constant 0 : i32
        %dma_start3A_113 = tpu.memref_slice %arg10[%dma_start3A_111, %dma_start3A_112] : memref<10112x16xf32, #tpu.memory_space<vmem_shared>> -> memref<10112x16xf32, #tpu.memory_space<vmem_shared>>
        tpu.enqueue_indirect_dma source(%dma_start3A_107 : memref<1000x16xf32, #tpu.memory_space<vmem>>) target(%dma_start3A_113 : memref<10112x16xf32, #tpu.memory_space<vmem_shared>>) offsets(%dma_start3A_110 : memref<1000xi32, #tpu.memory_space<vmem>>) semaphore(%run_scoped3A_103 : memref<!tpu.dma_semaphore, #tpu.memory_space<semaphore_mem>>) {add = true}
        %dma_wait3A_114 = arith.constant 0 : i32
        %dma_wait3A_115 = arith.constant 0 : i32
        %dma_wait3A_116 = tpu.memref_slice %arg7[%rem3A_55, %run_scoped3A_101, %dma_wait3A_114, %dma_wait3A_115] : memref<2x2x1000x16xf32, #tpu.memory_space<vmem>> -> memref<1x1x1000x16xf32, #tpu.memory_space<vmem>>
        %dma_wait3A_117 = tpu.memref_squeeze %dma_wait3A_116 : memref<1x1x1000x16xf32, #tpu.memory_space<vmem>> -> memref<1000x16xf32, #tpu.memory_space<vmem>>
        %dma_wait3A_118 = arith.constant 0 : i32
        %dma_wait3A_119 = tpu.memref_slice %arg6[%add3A_100, %dma_wait3A_118] : memref<10x1000xi32, #tpu.memory_space<vmem>> -> memref<1x1000xi32, #tpu.memory_space<vmem>>
        %dma_wait3A_120 = tpu.memref_squeeze %dma_wait3A_119 : memref<1x1000xi32, #tpu.memory_space<vmem>> -> memref<1000xi32, #tpu.memory_space<vmem>>
        %dma_wait3A_121 = arith.constant 0 : i32
        %dma_wait3A_122 = arith.constant 0 : i32
        %dma_wait3A_123 = tpu.memref_slice %arg10[%dma_wait3A_121, %dma_wait3A_122] : memref<10112x16xf32, #tpu.memory_space<vmem_shared>> -> memref<10112x16xf32, #tpu.memory_space<vmem_shared>>
        tpu.wait_indirect_dma semaphore(%run_scoped3A_103 : memref<!tpu.dma_semaphore, #tpu.memory_space<semaphore_mem>>) src(%dma_wait3A_117 : memref<1000x16xf32, #tpu.memory_space<vmem>>) dst(%dma_wait3A_123 : memref<10112x16xf32, #tpu.memory_space<vmem_shared>>)
        tpu.yield
      }) : () -> ()
      %scan3A_102 = arith.constant 0 : i32
      scf.yield %scan3A_102 : i32
    }
    %scan3A_47 = arith.constant 5 : i32
    %barrier3A_48 = arith.constant 0 : index
    tpu.barrier barrier_id(%barrier3A_48)
    %mul3A_49 = arith.constant 632 : i32
    %mul3A_50 = arith.muli %arg1, %mul3A_49 : i32
    %mul3A_51 = arith.constant 632 : i32
    %mul3A_52 = arith.muli %arg1, %mul3A_51 : i32
    "tpu.region"() ({
      %run_scoped3A_53 = tpu.sem_alloc : memref<!tpu.dma_semaphore, #tpu.memory_space<semaphore_mem>>
      %dma_start3A_54 = arith.constant 0 : i32
      %dma_start3A_55 = tpu.memref_slice %arg4[%arg0, %mul3A_52, %dma_start3A_54] : memref<2x10112x16xf32, #tpu.memory_space<hbm>> -> memref<1x632x16xf32, #tpu.memory_space<hbm>>
      %dma_start3A_56 = tpu.memref_squeeze %dma_start3A_55 : memref<1x632x16xf32, #tpu.memory_space<hbm>> -> memref<632x16xf32, #tpu.memory_space<hbm>>
      %dma_start3A_57 = arith.constant 0 : i32
      %dma_start3A_58 = tpu.memref_slice %arg10[%mul3A_50, %dma_start3A_57] : memref<10112x16xf32, #tpu.memory_space<vmem_shared>> -> memref<632x16xf32, #tpu.memory_space<vmem_shared>>
      tpu.enqueue_dma source(%dma_start3A_58 : memref<632x16xf32, #tpu.memory_space<vmem_shared>>) target(%dma_start3A_56 : memref<632x16xf32, #tpu.memory_space<hbm>>) target_semaphore(%run_scoped3A_53 : memref<!tpu.dma_semaphore, #tpu.memory_space<semaphore_mem>>)
      %dma_wait3A = arith.constant 0 : i32
      %dma_wait3A_59 = tpu.memref_slice %arg4[%arg0, %mul3A_52, %dma_wait3A] : memref<2x10112x16xf32, #tpu.memory_space<hbm>> -> memref<1x632x16xf32, #tpu.memory_space<hbm>>
      %dma_wait3A_60 = tpu.memref_squeeze %dma_wait3A_59 : memref<1x632x16xf32, #tpu.memory_space<hbm>> -> memref<632x16xf32, #tpu.memory_space<hbm>>
      %dma_wait3A_61 = arith.constant 0 : i32
      %dma_wait3A_62 = tpu.memref_slice %arg10[%mul3A_50, %dma_wait3A_61] : memref<10112x16xf32, #tpu.memory_space<vmem_shared>> -> memref<632x16xf32, #tpu.memory_space<vmem_shared>>
      tpu.wait_dma2 semaphore(%run_scoped3A_53 : memref<!tpu.dma_semaphore, #tpu.memory_space<semaphore_mem>>) src(%dma_wait3A_62 : memref<632x16xf32, #tpu.memory_space<vmem_shared>>) dst(%dma_wait3A_60 : memref<632x16xf32, #tpu.memory_space<hbm>>)
      tpu.yield
    }) : () -> ()
    return
  }
}

#map = affine_map<(d0, d1) -> (0, 0)>
#map1 = affine_map<(d0, d1) -> (0, 0, 0, 0)>
#map2 = affine_map<(d0, d1) -> (0, 0, 0)>
module attributes {stable_mosaic.version = 14 : i64} {
  func.func @sc_scatter(%arg0: i32, %arg1: i32, %arg2: memref<10000x16xf32, #tpu.memory_space<hbm>>, %arg3: memref<2x32x10x1000xi32, #tpu.memory_space<hbm>>, %arg4: memref<2x10112x16xf32, #tpu.memory_space<hbm>>, %arg5: memref<10x1000xi32, #tpu.memory_space<vmem>>, %arg6: memref<10x1000xi32, #tpu.memory_space<vmem>>, %arg7: memref<2x2x1000x16xf32, #tpu.memory_space<vmem>>, %arg8: memref<632x16xf32, #tpu.memory_space<vmem>>, %arg9: memref<10000x16xf32, #tpu.memory_space<vmem_shared>>, %arg10: memref<10112x16xf32, #tpu.memory_space<vmem_shared>>, %arg11: memref<!tpu.dma_semaphore, #tpu.memory_space<semaphore_mem>>) attributes {dimension_semantics = [#tpu.dimension_semantics<core_parallel>, #tpu.dimension_semantics<subcore_parallel>], iteration_bounds = array<i64: 2, 16>, scalar_prefetch = 0 : i64, scratch_operands = 7 : i64, tpu.core_type = #tpu.core_type<sc_vector_subcore>, window_params = [{transform_indices = #map}, {transform_indices = #map1}, {transform_indices = #map2}]} {
    %mul3A = arith.constant 2 : i32
    %mul3A_0 = arith.muli %arg1, %mul3A : i32
    %add3A = arith.addi %mul3A_0, %arg0 : i32
    %scan3A = arith.constant 0 : i32
    %scan3A_1 = arith.constant 0 : i32
    %scan3A_2 = arith.constant 632 : i32
    %scan3A_3 = arith.addi %scan3A_1, %scan3A_2 : i32
    %scan3A_4 = arith.constant 8 : i32
    %scan3A_5 = scf.for %scan3A_53 = %scan3A_1 to %scan3A_3 step %scan3A_4 iter_args(%scan3A_54 = %scan3A) -> (i32)  : i32 {
      %broadcast_in_dim3A = arith.constant 0.000000e+00 : f32
      %broadcast_in_dim3A_55 = vector.broadcast %broadcast_in_dim3A : f32 to vector<16xf32>
      %swap3A = arith.index_cast %scan3A_53 : i32 to index
      %swap3A_56 = arith.constant 0 : index
      %swap3A_57 = tpu.vector_load %arg8[%swap3A, %swap3A_56] {strides = array<i32>} : memref<632x16xf32, #tpu.memory_space<vmem>>, vector<1x16xf32>,
      %swap3A_58 = vector.shape_cast %swap3A_57 : vector<1x16xf32> to vector<16xf32>
      %swap3A_59 = vector.shape_cast %broadcast_in_dim3A_55 : vector<16xf32> to vector<1x16xf32>
      tpu.vector_store %arg8[%swap3A, %swap3A_56], %swap3A_59 {strides = array<i32>} : memref<632x16xf32, #tpu.memory_space<vmem>>, vector<1x16xf32>,
      %scan3A_60 = arith.constant 0 : i32
      %scan3A_61 = arith.constant 1 : i32
      %scan3A_62 = arith.addi %scan3A_53, %scan3A_61 : i32
      %broadcast_in_dim3A_63 = arith.constant 0.000000e+00 : f32
      %broadcast_in_dim3A_64 = vector.broadcast %broadcast_in_dim3A_63 : f32 to vector<16xf32>
      %swap3A_65 = arith.index_cast %scan3A_62 : i32 to index
      %swap3A_66 = arith.constant 0 : index
      %swap3A_67 = tpu.vector_load %arg8[%swap3A_65, %swap3A_66] {strides = array<i32>} : memref<632x16xf32, #tpu.memory_space<vmem>>, vector<1x16xf32>,
      %swap3A_68 = vector.shape_cast %swap3A_67 : vector<1x16xf32> to vector<16xf32>
      %swap3A_69 = vector.shape_cast %broadcast_in_dim3A_64 : vector<16xf32> to vector<1x16xf32>
      tpu.vector_store %arg8[%swap3A_65, %swap3A_66], %swap3A_69 {strides = array<i32>} : memref<632x16xf32, #tpu.memory_space<vmem>>, vector<1x16xf32>,
      %scan3A_70 = arith.constant 0 : i32
      %scan3A_71 = arith.constant 2 : i32
      %scan3A_72 = arith.addi %scan3A_53, %scan3A_71 : i32
      %broadcast_in_dim3A_73 = arith.constant 0.000000e+00 : f32
      %broadcast_in_dim3A_74 = vector.broadcast %broadcast_in_dim3A_73 : f32 to vector<16xf32>
      %swap3A_75 = arith.index_cast %scan3A_72 : i32 to index
      %swap3A_76 = arith.constant 0 : index
      %swap3A_77 = tpu.vector_load %arg8[%swap3A_75, %swap3A_76] {strides = array<i32>} : memref<632x16xf32, #tpu.memory_space<vmem>>, vector<1x16xf32>,
      %swap3A_78 = vector.shape_cast %swap3A_77 : vector<1x16xf32> to vector<16xf32>
      %swap3A_79 = vector.shape_cast %broadcast_in_dim3A_74 : vector<16xf32> to vector<1x16xf32>
      tpu.vector_store %arg8[%swap3A_75, %swap3A_76], %swap3A_79 {strides = array<i32>} : memref<632x16xf32, #tpu.memory_space<vmem>>, vector<1x16xf32>,
      %scan3A_80 = arith.constant 0 : i32
      %scan3A_81 = arith.constant 3 : i32
      %scan3A_82 = arith.addi %scan3A_53, %scan3A_81 : i32
      %broadcast_in_dim3A_83 = arith.constant 0.000000e+00 : f32
      %broadcast_in_dim3A_84 = vector.broadcast %broadcast_in_dim3A_83 : f32 to vector<16xf32>
      %swap3A_85 = arith.index_cast %scan3A_82 : i32 to index
      %swap3A_86 = arith.constant 0 : index
      %swap3A_87 = tpu.vector_load %arg8[%swap3A_85, %swap3A_86] {strides = array<i32>} : memref<632x16xf32, #tpu.memory_space<vmem>>, vector<1x16xf32>,
      %swap3A_88 = vector.shape_cast %swap3A_87 : vector<1x16xf32> to vector<16xf32>
      %swap3A_89 = vector.shape_cast %broadcast_in_dim3A_84 : vector<16xf32> to vector<1x16xf32>
      tpu.vector_store %arg8[%swap3A_85, %swap3A_86], %swap3A_89 {strides = array<i32>} : memref<632x16xf32, #tpu.memory_space<vmem>>, vector<1x16xf32>,
      %scan3A_90 = arith.constant 0 : i32
      %scan3A_91 = arith.constant 4 : i32
      %scan3A_92 = arith.addi %scan3A_53, %scan3A_91 : i32
      %broadcast_in_dim3A_93 = arith.constant 0.000000e+00 : f32
      %broadcast_in_dim3A_94 = vector.broadcast %broadcast_in_dim3A_93 : f32 to vector<16xf32>
      %swap3A_95 = arith.index_cast %scan3A_92 : i32 to index
      %swap3A_96 = arith.constant 0 : index
      %swap3A_97 = tpu.vector_load %arg8[%swap3A_95, %swap3A_96] {strides = array<i32>} : memref<632x16xf32, #tpu.memory_space<vmem>>, vector<1x16xf32>,
      %swap3A_98 = vector.shape_cast %swap3A_97 : vector<1x16xf32> to vector<16xf32>
      %swap3A_99 = vector.shape_cast %broadcast_in_dim3A_94 : vector<16xf32> to vector<1x16xf32>
      tpu.vector_store %arg8[%swap3A_95, %swap3A_96], %swap3A_99 {strides = array<i32>} : memref<632x16xf32, #tpu.memory_space<vmem>>, vector<1x16xf32>,
      %scan3A_100 = arith.constant 0 : i32
      %scan3A_101 = arith.constant 5 : i32
      %scan3A_102 = arith.addi %scan3A_53, %scan3A_101 : i32
      %broadcast_in_dim3A_103 = arith.constant 0.000000e+00 : f32
      %broadcast_in_dim3A_104 = vector.broadcast %broadcast_in_dim3A_103 : f32 to vector<16xf32>
      %swap3A_105 = arith.index_cast %scan3A_102 : i32 to index
      %swap3A_106 = arith.constant 0 : index
      %swap3A_107 = tpu.vector_load %arg8[%swap3A_105, %swap3A_106] {strides = array<i32>} : memref<632x16xf32, #tpu.memory_space<vmem>>, vector<1x16xf32>,
      %swap3A_108 = vector.shape_cast %swap3A_107 : vector<1x16xf32> to vector<16xf32>
      %swap3A_109 = vector.shape_cast %broadcast_in_dim3A_104 : vector<16xf32> to vector<1x16xf32>
      tpu.vector_store %arg8[%swap3A_105, %swap3A_106], %swap3A_109 {strides = array<i32>} : memref<632x16xf32, #tpu.memory_space<vmem>>, vector<1x16xf32>,
      %scan3A_110 = arith.constant 0 : i32
      %scan3A_111 = arith.constant 6 : i32
      %scan3A_112 = arith.addi %scan3A_53, %scan3A_111 : i32
      %broadcast_in_dim3A_113 = arith.constant 0.000000e+00 : f32
      %broadcast_in_dim3A_114 = vector.broadcast %broadcast_in_dim3A_113 : f32 to vector<16xf32>
      %swap3A_115 = arith.index_cast %scan3A_112 : i32 to index
      %swap3A_116 = arith.constant 0 : index
      %swap3A_117 = tpu.vector_load %arg8[%swap3A_115, %swap3A_116] {strides = array<i32>} : memref<632x16xf32, #tpu.memory_space<vmem>>, vector<1x16xf32>,
      %swap3A_118 = vector.shape_cast %swap3A_117 : vector<1x16xf32> to vector<16xf32>
      %swap3A_119 = vector.shape_cast %broadcast_in_dim3A_114 : vector<16xf32> to vector<1x16xf32>
      tpu.vector_store %arg8[%swap3A_115, %swap3A_116], %swap3A_119 {strides = array<i32>} : memref<632x16xf32, #tpu.memory_space<vmem>>, vector<1x16xf32>,
      %scan3A_120 = arith.constant 0 : i32
      %scan3A_121 = arith.constant 7 : i32
      %scan3A_122 = arith.addi %scan3A_53, %scan3A_121 : i32
      %broadcast_in_dim3A_123 = arith.constant 0.000000e+00 : f32
      %broadcast_in_dim3A_124 = vector.broadcast %broadcast_in_dim3A_123 : f32 to vector<16xf32>
      %swap3A_125 = arith.index_cast %scan3A_122 : i32 to index
      %swap3A_126 = arith.constant 0 : index
      %swap3A_127 = tpu.vector_load %arg8[%swap3A_125, %swap3A_126] {strides = array<i32>} : memref<632x16xf32, #tpu.memory_space<vmem>>, vector<1x16xf32>,
      %swap3A_128 = vector.shape_cast %swap3A_127 : vector<1x16xf32> to vector<16xf32>
      %swap3A_129 = vector.shape_cast %broadcast_in_dim3A_124 : vector<16xf32> to vector<1x16xf32>
      tpu.vector_store %arg8[%swap3A_125, %swap3A_126], %swap3A_129 {strides = array<i32>} : memref<632x16xf32, #tpu.memory_space<vmem>>, vector<1x16xf32>,
      %scan3A_130 = arith.constant 0 : i32
      scf.yield %scan3A_130 : i32
    }
    %scan3A_6 = arith.constant 632 : i32
    %mul3A_7 = arith.constant 632 : i32
    %mul3A_8 = arith.muli %arg1, %mul3A_7 : i32
    "tpu.region"() ({
      %run_scoped3A_53 = tpu.sem_alloc : memref<!tpu.dma_semaphore, #tpu.memory_space<semaphore_mem>>
      %dma_start3A_54 = arith.constant 0 : i32
      %dma_start3A_55 = tpu.memref_slice %arg10[%mul3A_8, %dma_start3A_54] : memref<10112x16xf32, #tpu.memory_space<vmem_shared>> -> memref<632x16xf32, #tpu.memory_space<vmem_shared>>
      %dma_start3A_56 = arith.constant 0 : i32
      %dma_start3A_57 = tpu.memref_slice %arg10[%mul3A_8, %dma_start3A_56] : memref<10112x16xf32, #tpu.memory_space<vmem_shared>> -> memref<632x16xf32, #tpu.memory_space<vmem_shared>>
      tpu.enqueue_dma source(%arg8 : memref<632x16xf32, #tpu.memory_space<vmem>>) target(%dma_start3A_57 : memref<632x16xf32, #tpu.memory_space<vmem_shared>>) target_semaphore(%run_scoped3A_53 : memref<!tpu.dma_semaphore, #tpu.memory_space<semaphore_mem>>)
      %dma_wait3A = arith.constant 0 : i32
      %dma_wait3A_58 = tpu.memref_slice %arg10[%mul3A_8, %dma_wait3A] : memref<10112x16xf32, #tpu.memory_space<vmem_shared>> -> memref<632x16xf32, #tpu.memory_space<vmem_shared>>
      %dma_wait3A_59 = arith.constant 0 : i32
      %dma_wait3A_60 = tpu.memref_slice %arg10[%mul3A_8, %dma_wait3A_59] : memref<10112x16xf32, #tpu.memory_space<vmem_shared>> -> memref<632x16xf32, #tpu.memory_space<vmem_shared>>
      tpu.wait_dma2 semaphore(%run_scoped3A_53 : memref<!tpu.dma_semaphore, #tpu.memory_space<semaphore_mem>>) src(%arg8 : memref<632x16xf32, #tpu.memory_space<vmem>>) dst(%dma_wait3A_60 : memref<632x16xf32, #tpu.memory_space<vmem_shared>>)
      tpu.yield
    }) : () -> ()
    %lt3A = arith.constant 15 : i32
    %lt3A_9 = arith.cmpi slt, %arg1, %lt3A : i32
    %convert_element_type3A = arith.extui %lt3A_9 : i1 to i32
    %cond3A = arith.constant 0 : i32
    %cond3A_10 = arith.cmpi ne, %convert_element_type3A, %cond3A : i32
    scf.if %cond3A_10 {
      %mul3A_53 = arith.constant 632 : i32
      %mul3A_54 = arith.muli %arg1, %mul3A_53 : i32
      %mul3A_55 = arith.constant 632 : i32
      %mul3A_56 = arith.muli %arg1, %mul3A_55 : i32
      "tpu.region"() ({
        %run_scoped3A_57 = tpu.sem_alloc : memref<!tpu.dma_semaphore, #tpu.memory_space<semaphore_mem>>
        %dma_start3A_58 = arith.constant 0 : i32
        %dma_start3A_59 = tpu.memref_slice %arg9[%mul3A_56, %dma_start3A_58] : memref<10000x16xf32, #tpu.memory_space<vmem_shared>> -> memref<632x16xf32, #tpu.memory_space<vmem_shared>>
        %dma_start3A_60 = arith.constant 0 : i32
        %dma_start3A_61 = tpu.memref_slice %arg2[%mul3A_54, %dma_start3A_60] : memref<10000x16xf32, #tpu.memory_space<hbm>> -> memref<632x16xf32, #tpu.memory_space<hbm>>
        tpu.enqueue_dma source(%dma_start3A_61 : memref<632x16xf32, #tpu.memory_space<hbm>>) target(%dma_start3A_59 : memref<632x16xf32, #tpu.memory_space<vmem_shared>>) target_semaphore(%run_scoped3A_57 : memref<!tpu.dma_semaphore, #tpu.memory_space<semaphore_mem>>)
        %dma_wait3A = arith.constant 0 : i32
        %dma_wait3A_62 = tpu.memref_slice %arg9[%mul3A_56, %dma_wait3A] : memref<10000x16xf32, #tpu.memory_space<vmem_shared>> -> memref<632x16xf32, #tpu.memory_space<vmem_shared>>
        %dma_wait3A_63 = arith.constant 0 : i32
        %dma_wait3A_64 = tpu.memref_slice %arg2[%mul3A_54, %dma_wait3A_63] : memref<10000x16xf32, #tpu.memory_space<hbm>> -> memref<632x16xf32, #tpu.memory_space<hbm>>
        tpu.wait_dma2 semaphore(%run_scoped3A_57 : memref<!tpu.dma_semaphore, #tpu.memory_space<semaphore_mem>>) src(%dma_wait3A_64 : memref<632x16xf32, #tpu.memory_space<hbm>>) dst(%dma_wait3A_62 : memref<632x16xf32, #tpu.memory_space<vmem_shared>>)
        tpu.yield
      }) : () -> ()
    } else {
    }
    %eq3A = arith.constant 15 : i32
    %eq3A_11 = arith.cmpi eq, %arg1, %eq3A : i32
    %convert_element_type3A_12 = arith.extui %eq3A_11 : i1 to i32
    %cond3A_13 = arith.constant 0 : i32
    %cond3A_14 = arith.cmpi ne, %convert_element_type3A_12, %cond3A_13 : i32
    scf.if %cond3A_14 {
      "tpu.region"() ({
        %run_scoped3A_53 = tpu.sem_alloc : memref<!tpu.dma_semaphore, #tpu.memory_space<semaphore_mem>>
        %dma_start3A_54 = arith.constant 9480 : i32
        %dma_start3A_55 = arith.constant 0 : i32
        %dma_start3A_56 = tpu.memref_slice %arg9[%dma_start3A_54, %dma_start3A_55] : memref<10000x16xf32, #tpu.memory_space<vmem_shared>> -> memref<520x16xf32, #tpu.memory_space<vmem_shared>>
        %dma_start3A_57 = arith.constant 9480 : i32
        %dma_start3A_58 = arith.constant 0 : i32
        %dma_start3A_59 = tpu.memref_slice %arg2[%dma_start3A_57, %dma_start3A_58] : memref<10000x16xf32, #tpu.memory_space<hbm>> -> memref<520x16xf32, #tpu.memory_space<hbm>>
        tpu.enqueue_dma source(%dma_start3A_59 : memref<520x16xf32, #tpu.memory_space<hbm>>) target(%dma_start3A_56 : memref<520x16xf32, #tpu.memory_space<vmem_shared>>) target_semaphore(%run_scoped3A_53 : memref<!tpu.dma_semaphore, #tpu.memory_space<semaphore_mem>>)
        %dma_wait3A = arith.constant 9480 : i32
        %dma_wait3A_60 = arith.constant 0 : i32
        %dma_wait3A_61 = tpu.memref_slice %arg9[%dma_wait3A, %dma_wait3A_60] : memref<10000x16xf32, #tpu.memory_space<vmem_shared>> -> memref<520x16xf32, #tpu.memory_space<vmem_shared>>
        %dma_wait3A_62 = arith.constant 9480 : i32
        %dma_wait3A_63 = arith.constant 0 : i32
        %dma_wait3A_64 = tpu.memref_slice %arg2[%dma_wait3A_62, %dma_wait3A_63] : memref<10000x16xf32, #tpu.memory_space<hbm>> -> memref<520x16xf32, #tpu.memory_space<hbm>>
        tpu.wait_dma2 semaphore(%run_scoped3A_53 : memref<!tpu.dma_semaphore, #tpu.memory_space<semaphore_mem>>) src(%dma_wait3A_64 : memref<520x16xf32, #tpu.memory_space<hbm>>) dst(%dma_wait3A_61 : memref<520x16xf32, #tpu.memory_space<vmem_shared>>)
        tpu.yield
      }) : () -> ()
    } else {
    }
    %run_scoped3A = arith.constant 0 : i32
    "tpu.region"() ({
      %run_scoped3A_53 = tpu.sem_alloc : memref<!tpu.dma_semaphore, #tpu.memory_space<semaphore_mem>>
      %dma_start3A_54 = arith.constant 0 : i32
      %dma_start3A_55 = arith.constant 0 : i32
      %dma_start3A_56 = tpu.memref_slice %arg3[%run_scoped3A, %add3A, %dma_start3A_54, %dma_start3A_55] : memref<2x32x10x1000xi32, #tpu.memory_space<hbm>> -> memref<1x1x10x1000xi32, #tpu.memory_space<hbm>>
      %dma_start3A_57 = tpu.memref_squeeze %dma_start3A_56 : memref<1x1x10x1000xi32, #tpu.memory_space<hbm>> -> memref<10x1000xi32, #tpu.memory_space<hbm>>
      %dma_start3A_58 = arith.constant 0 : i32
      %dma_start3A_59 = arith.constant 0 : i32
      %dma_start3A_60 = tpu.memref_slice %arg3[%run_scoped3A, %add3A, %dma_start3A_58, %dma_start3A_59] : memref<2x32x10x1000xi32, #tpu.memory_space<hbm>> -> memref<1x1x10x1000xi32, #tpu.memory_space<hbm>>
      %dma_start3A_61 = tpu.memref_squeeze %dma_start3A_60 : memref<1x1x10x1000xi32, #tpu.memory_space<hbm>> -> memref<10x1000xi32, #tpu.memory_space<hbm>>
      tpu.enqueue_dma source(%dma_start3A_61 : memref<10x1000xi32, #tpu.memory_space<hbm>>) target(%arg5 : memref<10x1000xi32, #tpu.memory_space<vmem>>) target_semaphore(%run_scoped3A_53 : memref<!tpu.dma_semaphore, #tpu.memory_space<semaphore_mem>>)
      %dma_wait3A = arith.constant 0 : i32
      %dma_wait3A_62 = arith.constant 0 : i32
      %dma_wait3A_63 = tpu.memref_slice %arg3[%run_scoped3A, %add3A, %dma_wait3A, %dma_wait3A_62] : memref<2x32x10x1000xi32, #tpu.memory_space<hbm>> -> memref<1x1x10x1000xi32, #tpu.memory_space<hbm>>
      %dma_wait3A_64 = tpu.memref_squeeze %dma_wait3A_63 : memref<1x1x10x1000xi32, #tpu.memory_space<hbm>> -> memref<10x1000xi32, #tpu.memory_space<hbm>>
      %dma_wait3A_65 = arith.constant 0 : i32
      %dma_wait3A_66 = arith.constant 0 : i32
      %dma_wait3A_67 = tpu.memref_slice %arg3[%run_scoped3A, %add3A, %dma_wait3A_65, %dma_wait3A_66] : memref<2x32x10x1000xi32, #tpu.memory_space<hbm>> -> memref<1x1x10x1000xi32, #tpu.memory_space<hbm>>
      %dma_wait3A_68 = tpu.memref_squeeze %dma_wait3A_67 : memref<1x1x10x1000xi32, #tpu.memory_space<hbm>> -> memref<10x1000xi32, #tpu.memory_space<hbm>>
      tpu.wait_dma2 semaphore(%run_scoped3A_53 : memref<!tpu.dma_semaphore, #tpu.memory_space<semaphore_mem>>) src(%dma_wait3A_68 : memref<10x1000xi32, #tpu.memory_space<hbm>>) dst(%arg5 : memref<10x1000xi32, #tpu.memory_space<vmem>>)
      tpu.yield
    }) : () -> ()
    %run_scoped3A_15 = arith.constant 1 : i32
    "tpu.region"() ({
      %run_scoped3A_53 = tpu.sem_alloc : memref<!tpu.dma_semaphore, #tpu.memory_space<semaphore_mem>>
      %dma_start3A_54 = arith.constant 0 : i32
      %dma_start3A_55 = arith.constant 0 : i32
      %dma_start3A_56 = tpu.memref_slice %arg3[%run_scoped3A_15, %add3A, %dma_start3A_54, %dma_start3A_55] : memref<2x32x10x1000xi32, #tpu.memory_space<hbm>> -> memref<1x1x10x1000xi32, #tpu.memory_space<hbm>>
      %dma_start3A_57 = tpu.memref_squeeze %dma_start3A_56 : memref<1x1x10x1000xi32, #tpu.memory_space<hbm>> -> memref<10x1000xi32, #tpu.memory_space<hbm>>
      %dma_start3A_58 = arith.constant 0 : i32
      %dma_start3A_59 = arith.constant 0 : i32
      %dma_start3A_60 = tpu.memref_slice %arg3[%run_scoped3A_15, %add3A, %dma_start3A_58, %dma_start3A_59] : memref<2x32x10x1000xi32, #tpu.memory_space<hbm>> -> memref<1x1x10x1000xi32, #tpu.memory_space<hbm>>
      %dma_start3A_61 = tpu.memref_squeeze %dma_start3A_60 : memref<1x1x10x1000xi32, #tpu.memory_space<hbm>> -> memref<10x1000xi32, #tpu.memory_space<hbm>>
      tpu.enqueue_dma source(%dma_start3A_61 : memref<10x1000xi32, #tpu.memory_space<hbm>>) target(%arg6 : memref<10x1000xi32, #tpu.memory_space<vmem>>) target_semaphore(%run_scoped3A_53 : memref<!tpu.dma_semaphore, #tpu.memory_space<semaphore_mem>>)
      %dma_wait3A = arith.constant 0 : i32
      %dma_wait3A_62 = arith.constant 0 : i32
      %dma_wait3A_63 = tpu.memref_slice %arg3[%run_scoped3A_15, %add3A, %dma_wait3A, %dma_wait3A_62] : memref<2x32x10x1000xi32, #tpu.memory_space<hbm>> -> memref<1x1x10x1000xi32, #tpu.memory_space<hbm>>
      %dma_wait3A_64 = tpu.memref_squeeze %dma_wait3A_63 : memref<1x1x10x1000xi32, #tpu.memory_space<hbm>> -> memref<10x1000xi32, #tpu.memory_space<hbm>>
      %dma_wait3A_65 = arith.constant 0 : i32
      %dma_wait3A_66 = arith.constant 0 : i32
      %dma_wait3A_67 = tpu.memref_slice %arg3[%run_scoped3A_15, %add3A, %dma_wait3A_65, %dma_wait3A_66] : memref<2x32x10x1000xi32, #tpu.memory_space<hbm>> -> memref<1x1x10x1000xi32, #tpu.memory_space<hbm>>
      %dma_wait3A_68 = tpu.memref_squeeze %dma_wait3A_67 : memref<1x1x10x1000xi32, #tpu.memory_space<hbm>> -> memref<10x1000xi32, #tpu.memory_space<hbm>>
      tpu.wait_dma2 semaphore(%run_scoped3A_53 : memref<!tpu.dma_semaphore, #tpu.memory_space<semaphore_mem>>) src(%dma_wait3A_68 : memref<10x1000xi32, #tpu.memory_space<hbm>>) dst(%arg6 : memref<10x1000xi32, #tpu.memory_space<vmem>>)
      tpu.yield
    }) : () -> ()
    %barrier3A = arith.constant 0 : index
    tpu.barrier barrier_id(%barrier3A)
    %dma_start3A = arith.constant 0 : i32
    %dma_start3A_16 = arith.constant 0 : i32
    %dma_start3A_17 = arith.constant 0 : i32
    %dma_start3A_18 = arith.constant 0 : i32
    %dma_start3A_19 = arith.constant 0 : i32
    %dma_start3A_20 = tpu.memref_slice %arg7[%dma_start3A_16, %dma_start3A_17, %dma_start3A_18, %dma_start3A_19] : memref<2x2x1000x16xf32, #tpu.memory_space<vmem>> -> memref<1x1x1000x16xf32, #tpu.memory_space<vmem>>
    %dma_start3A_21 = tpu.memref_squeeze %dma_start3A_20 : memref<1x1x1000x16xf32, #tpu.memory_space<vmem>> -> memref<1000x16xf32, #tpu.memory_space<vmem>>
    %dma_start3A_22 = arith.constant 0 : i32
    %dma_start3A_23 = tpu.memref_slice %arg5[%dma_start3A, %dma_start3A_22] : memref<10x1000xi32, #tpu.memory_space<vmem>> -> memref<1x1000xi32, #tpu.memory_space<vmem>>
    %dma_start3A_24 = tpu.memref_squeeze %dma_start3A_23 : memref<1x1000xi32, #tpu.memory_space<vmem>> -> memref<1000xi32, #tpu.memory_space<vmem>>
    %dma_start3A_25 = arith.constant 0 : i32
    %dma_start3A_26 = arith.constant 0 : i32
    %dma_start3A_27 = tpu.memref_slice %arg9[%dma_start3A_25, %dma_start3A_26] : memref<10000x16xf32, #tpu.memory_space<vmem_shared>> -> memref<10000x16xf32, #tpu.memory_space<vmem_shared>>
    tpu.enqueue_indirect_dma source(%dma_start3A_27 : memref<10000x16xf32, #tpu.memory_space<vmem_shared>>) target(%dma_start3A_21 : memref<1000x16xf32, #tpu.memory_space<vmem>>) offsets(%dma_start3A_24 : memref<1000xi32, #tpu.memory_space<vmem>>) semaphore(%arg11 : memref<!tpu.dma_semaphore, #tpu.memory_space<semaphore_mem>>)
    %dma_start3A_28 = arith.constant 1 : i32
    %dma_start3A_29 = arith.constant 0 : i32
    %dma_start3A_30 = arith.constant 1 : i32
    %dma_start3A_31 = arith.constant 0 : i32
    %dma_start3A_32 = arith.constant 0 : i32
    %dma_start3A_33 = tpu.memref_slice %arg7[%dma_start3A_29, %dma_start3A_30, %dma_start3A_31, %dma_start3A_32] : memref<2x2x1000x16xf32, #tpu.memory_space<vmem>> -> memref<1x1x1000x16xf32, #tpu.memory_space<vmem>>
    %dma_start3A_34 = tpu.memref_squeeze %dma_start3A_33 : memref<1x1x1000x16xf32, #tpu.memory_space<vmem>> -> memref<1000x16xf32, #tpu.memory_space<vmem>>
    %dma_start3A_35 = arith.constant 0 : i32
    %dma_start3A_36 = tpu.memref_slice %arg5[%dma_start3A_28, %dma_start3A_35] : memref<10x1000xi32, #tpu.memory_space<vmem>> -> memref<1x1000xi32, #tpu.memory_space<vmem>>
    %dma_start3A_37 = tpu.memref_squeeze %dma_start3A_36 : memref<1x1000xi32, #tpu.memory_space<vmem>> -> memref<1000xi32, #tpu.memory_space<vmem>>
    %dma_start3A_38 = arith.constant 0 : i32
    %dma_start3A_39 = arith.constant 0 : i32
    %dma_start3A_40 = tpu.memref_slice %arg9[%dma_start3A_38, %dma_start3A_39] : memref<10000x16xf32, #tpu.memory_space<vmem_shared>> -> memref<10000x16xf32, #tpu.memory_space<vmem_shared>>
    tpu.enqueue_indirect_dma source(%dma_start3A_40 : memref<10000x16xf32, #tpu.memory_space<vmem_shared>>) target(%dma_start3A_34 : memref<1000x16xf32, #tpu.memory_space<vmem>>) offsets(%dma_start3A_37 : memref<1000xi32, #tpu.memory_space<vmem>>) semaphore(%arg11 : memref<!tpu.dma_semaphore, #tpu.memory_space<semaphore_mem>>)
    %scan3A_41 = arith.constant 0 : i32
    %scan3A_42 = arith.constant 0 : i32
    %scan3A_43 = arith.constant 5 : i32
    %scan3A_44 = arith.addi %scan3A_42, %scan3A_43 : i32
    %scan3A_45 = arith.constant 1 : i32
    %scan3A_46 = scf.for %scan3A_53 = %scan3A_42 to %scan3A_44 step %scan3A_45 iter_args(%scan3A_54 = %scan3A_41) -> (i32)  : i32 {
      %rem3A = arith.constant 2 : i32
      %rem3A_55 = arith.remsi %scan3A_53, %rem3A : i32
      %dma_wait3A = arith.constant 0 : i32
      %dma_wait3A_56 = arith.constant 0 : i32
      %dma_wait3A_57 = arith.constant 0 : i32
      %dma_wait3A_58 = tpu.memref_slice %arg7[%rem3A_55, %dma_wait3A, %dma_wait3A_56, %dma_wait3A_57] : memref<2x2x1000x16xf32, #tpu.memory_space<vmem>> -> memref<1x1x1000x16xf32, #tpu.memory_space<vmem>>
      %dma_wait3A_59 = tpu.memref_squeeze %dma_wait3A_58 : memref<1x1x1000x16xf32, #tpu.memory_space<vmem>> -> memref<1000x16xf32, #tpu.memory_space<vmem>>
      %dma_wait3A_60 = arith.constant 0 : i32
      %dma_wait3A_61 = arith.constant 0 : i32
      %dma_wait3A_62 = tpu.memref_slice %arg2[%dma_wait3A_60, %dma_wait3A_61] : memref<10000x16xf32, #tpu.memory_space<hbm>> -> memref<1000x16xf32, #tpu.memory_space<hbm>>
      %dma_wait3A_63 = arith.constant 0 : i32
      %dma_wait3A_64 = arith.constant 0 : i32
      %dma_wait3A_65 = tpu.memref_slice %arg7[%rem3A_55, %dma_wait3A, %dma_wait3A_63, %dma_wait3A_64] : memref<2x2x1000x16xf32, #tpu.memory_space<vmem>> -> memref<1x1x1000x16xf32, #tpu.memory_space<vmem>>
      %dma_wait3A_66 = tpu.memref_squeeze %dma_wait3A_65 : memref<1x1x1000x16xf32, #tpu.memory_space<vmem>> -> memref<1000x16xf32, #tpu.memory_space<vmem>>
      %dma_wait3A_67 = arith.constant 0 : i32
      %dma_wait3A_68 = arith.constant 0 : i32
      %dma_wait3A_69 = tpu.memref_slice %arg2[%dma_wait3A_67, %dma_wait3A_68] : memref<10000x16xf32, #tpu.memory_space<hbm>> -> memref<1000x16xf32, #tpu.memory_space<hbm>>
      tpu.wait_dma2 semaphore(%arg11 : memref<!tpu.dma_semaphore, #tpu.memory_space<semaphore_mem>>) src(%dma_wait3A_69 : memref<1000x16xf32, #tpu.memory_space<hbm>>) dst(%dma_wait3A_66 : memref<1000x16xf32, #tpu.memory_space<vmem>>)
      %dma_wait3A_70 = arith.constant 1 : i32
      %dma_wait3A_71 = arith.constant 0 : i32
      %dma_wait3A_72 = arith.constant 0 : i32
      %dma_wait3A_73 = tpu.memref_slice %arg7[%rem3A_55, %dma_wait3A_70, %dma_wait3A_71, %dma_wait3A_72] : memref<2x2x1000x16xf32, #tpu.memory_space<vmem>> -> memref<1x1x1000x16xf32, #tpu.memory_space<vmem>>
      %dma_wait3A_74 = tpu.memref_squeeze %dma_wait3A_73 : memref<1x1x1000x16xf32, #tpu.memory_space<vmem>> -> memref<1000x16xf32, #tpu.memory_space<vmem>>
      %dma_wait3A_75 = arith.constant 0 : i32
      %dma_wait3A_76 = arith.constant 0 : i32
      %dma_wait3A_77 = tpu.memref_slice %arg2[%dma_wait3A_75, %dma_wait3A_76] : memref<10000x16xf32, #tpu.memory_space<hbm>> -> memref<1000x16xf32, #tpu.memory_space<hbm>>
      %dma_wait3A_78 = arith.constant 0 : i32
      %dma_wait3A_79 = arith.constant 0 : i32
      %dma_wait3A_80 = tpu.memref_slice %arg7[%rem3A_55, %dma_wait3A_70, %dma_wait3A_78, %dma_wait3A_79] : memref<2x2x1000x16xf32, #tpu.memory_space<vmem>> -> memref<1x1x1000x16xf32, #tpu.memory_space<vmem>>
      %dma_wait3A_81 = tpu.memref_squeeze %dma_wait3A_80 : memref<1x1x1000x16xf32, #tpu.memory_space<vmem>> -> memref<1000x16xf32, #tpu.memory_space<vmem>>
      %dma_wait3A_82 = arith.constant 0 : i32
      %dma_wait3A_83 = arith.constant 0 : i32
      %dma_wait3A_84 = tpu.memref_slice %arg2[%dma_wait3A_82, %dma_wait3A_83] : memref<10000x16xf32, #tpu.memory_space<hbm>> -> memref<1000x16xf32, #tpu.memory_space<hbm>>
      tpu.wait_dma2 semaphore(%arg11 : memref<!tpu.dma_semaphore, #tpu.memory_space<semaphore_mem>>) src(%dma_wait3A_84 : memref<1000x16xf32, #tpu.memory_space<hbm>>) dst(%dma_wait3A_81 : memref<1000x16xf32, #tpu.memory_space<vmem>>)
      %add3A_85 = arith.constant 1 : i32
      %add3A_86 = arith.addi %scan3A_53, %add3A_85 : i32
      %lt3A_87 = arith.constant 5 : i32
      %lt3A_88 = arith.cmpi slt, %add3A_86, %lt3A_87 : i32
      %convert_element_type3A_89 = arith.extui %lt3A_88 : i1 to i32
      %cond3A_90 = arith.constant 0 : i32
      %cond3A_91 = arith.cmpi ne, %convert_element_type3A_89, %cond3A_90 : i32
      scf.if %cond3A_91 {
        %add3A_103 = arith.constant 1 : i32
        %add3A_104 = arith.addi %scan3A_53, %add3A_103 : i32
        %mul3A_105 = arith.constant 2 : i32
        %mul3A_106 = arith.muli %add3A_104, %mul3A_105 : i32
        %add3A_107 = arith.constant 0 : i32
        %add3A_108 = arith.addi %mul3A_106, %add3A_107 : i32
        %sub3A = arith.constant 1 : i32
        %sub3A_109 = arith.subi %sub3A, %rem3A_55 : i32
        %dma_start3A_110 = arith.constant 0 : i32
        %dma_start3A_111 = arith.constant 0 : i32
        %dma_start3A_112 = arith.constant 0 : i32
        %dma_start3A_113 = tpu.memref_slice %arg7[%sub3A_109, %dma_start3A_110, %dma_start3A_111, %dma_start3A_112] : memref<2x2x1000x16xf32, #tpu.memory_space<vmem>> -> memref<1x1x1000x16xf32, #tpu.memory_space<vmem>>
        %dma_start3A_114 = tpu.memref_squeeze %dma_start3A_113 : memref<1x1x1000x16xf32, #tpu.memory_space<vmem>> -> memref<1000x16xf32, #tpu.memory_space<vmem>>
        %dma_start3A_115 = arith.constant 0 : i32
        %dma_start3A_116 = tpu.memref_slice %arg5[%add3A_108, %dma_start3A_115] : memref<10x1000xi32, #tpu.memory_space<vmem>> -> memref<1x1000xi32, #tpu.memory_space<vmem>>
        %dma_start3A_117 = tpu.memref_squeeze %dma_start3A_116 : memref<1x1000xi32, #tpu.memory_space<vmem>> -> memref<1000xi32, #tpu.memory_space<vmem>>
        %dma_start3A_118 = arith.constant 0 : i32
        %dma_start3A_119 = arith.constant 0 : i32
        %dma_start3A_120 = tpu.memref_slice %arg9[%dma_start3A_118, %dma_start3A_119] : memref<10000x16xf32, #tpu.memory_space<vmem_shared>> -> memref<10000x16xf32, #tpu.memory_space<vmem_shared>>
        tpu.enqueue_indirect_dma source(%dma_start3A_120 : memref<10000x16xf32, #tpu.memory_space<vmem_shared>>) target(%dma_start3A_114 : memref<1000x16xf32, #tpu.memory_space<vmem>>) offsets(%dma_start3A_117 : memref<1000xi32, #tpu.memory_space<vmem>>) semaphore(%arg11 : memref<!tpu.dma_semaphore, #tpu.memory_space<semaphore_mem>>)
        %add3A_121 = arith.constant 1 : i32
        %add3A_122 = arith.addi %scan3A_53, %add3A_121 : i32
        %mul3A_123 = arith.constant 2 : i32
        %mul3A_124 = arith.muli %add3A_122, %mul3A_123 : i32
        %add3A_125 = arith.constant 1 : i32
        %add3A_126 = arith.addi %mul3A_124, %add3A_125 : i32
        %sub3A_127 = arith.constant 1 : i32
        %sub3A_128 = arith.subi %sub3A_127, %rem3A_55 : i32
        %dma_start3A_129 = arith.constant 1 : i32
        %dma_start3A_130 = arith.constant 0 : i32
        %dma_start3A_131 = arith.constant 0 : i32
        %dma_start3A_132 = tpu.memref_slice %arg7[%sub3A_128, %dma_start3A_129, %dma_start3A_130, %dma_start3A_131] : memref<2x2x1000x16xf32, #tpu.memory_space<vmem>> -> memref<1x1x1000x16xf32, #tpu.memory_space<vmem>>
        %dma_start3A_133 = tpu.memref_squeeze %dma_start3A_132 : memref<1x1x1000x16xf32, #tpu.memory_space<vmem>> -> memref<1000x16xf32, #tpu.memory_space<vmem>>
        %dma_start3A_134 = arith.constant 0 : i32
        %dma_start3A_135 = tpu.memref_slice %arg5[%add3A_126, %dma_start3A_134] : memref<10x1000xi32, #tpu.memory_space<vmem>> -> memref<1x1000xi32, #tpu.memory_space<vmem>>
        %dma_start3A_136 = tpu.memref_squeeze %dma_start3A_135 : memref<1x1000xi32, #tpu.memory_space<vmem>> -> memref<1000xi32, #tpu.memory_space<vmem>>
        %dma_start3A_137 = arith.constant 0 : i32
        %dma_start3A_138 = arith.constant 0 : i32
        %dma_start3A_139 = tpu.memref_slice %arg9[%dma_start3A_137, %dma_start3A_138] : memref<10000x16xf32, #tpu.memory_space<vmem_shared>> -> memref<10000x16xf32, #tpu.memory_space<vmem_shared>>
        tpu.enqueue_indirect_dma source(%dma_start3A_139 : memref<10000x16xf32, #tpu.memory_space<vmem_shared>>) target(%dma_start3A_133 : memref<1000x16xf32, #tpu.memory_space<vmem>>) offsets(%dma_start3A_136 : memref<1000xi32, #tpu.memory_space<vmem>>) semaphore(%arg11 : memref<!tpu.dma_semaphore, #tpu.memory_space<semaphore_mem>>)
      } else {
      }
      %mul3A_92 = arith.constant 2 : i32
      %mul3A_93 = arith.muli %scan3A_53, %mul3A_92 : i32
      %add3A_94 = arith.constant 0 : i32
      %add3A_95 = arith.addi %mul3A_93, %add3A_94 : i32
      %run_scoped3A_96 = arith.constant 0 : i32
      "tpu.region"() ({
        %run_scoped3A_103 = tpu.sem_alloc : memref<!tpu.dma_semaphore, #tpu.memory_space<semaphore_mem>>
        %dma_start3A_104 = arith.constant 0 : i32
        %dma_start3A_105 = arith.constant 0 : i32
        %dma_start3A_106 = tpu.memref_slice %arg7[%rem3A_55, %run_scoped3A_96, %dma_start3A_104, %dma_start3A_105] : memref<2x2x1000x16xf32, #tpu.memory_space<vmem>> -> memref<1x1x1000x16xf32, #tpu.memory_space<vmem>>
        %dma_start3A_107 = tpu.memref_squeeze %dma_start3A_106 : memref<1x1x1000x16xf32, #tpu.memory_space<vmem>> -> memref<1000x16xf32, #tpu.memory_space<vmem>>
        %dma_start3A_108 = arith.constant 0 : i32
        %dma_start3A_109 = tpu.memref_slice %arg6[%add3A_95, %dma_start3A_108] : memref<10x1000xi32, #tpu.memory_space<vmem>> -> memref<1x1000xi32, #tpu.memory_space<vmem>>
        %dma_start3A_110 = tpu.memref_squeeze %dma_start3A_109 : memref<1x1000xi32, #tpu.memory_space<vmem>> -> memref<1000xi32, #tpu.memory_space<vmem>>
        %dma_start3A_111 = arith.constant 0 : i32
        %dma_start3A_112 = arith.constant 0 : i32
        %dma_start3A_113 = tpu.memref_slice %arg10[%dma_start3A_111, %dma_start3A_112] : memref<10112x16xf32, #tpu.memory_space<vmem_shared>> -> memref<10112x16xf32, #tpu.memory_space<vmem_shared>>
        tpu.enqueue_indirect_dma source(%dma_start3A_107 : memref<1000x16xf32, #tpu.memory_space<vmem>>) target(%dma_start3A_113 : memref<10112x16xf32, #tpu.memory_space<vmem_shared>>) offsets(%dma_start3A_110 : memref<1000xi32, #tpu.memory_space<vmem>>) semaphore(%run_scoped3A_103 : memref<!tpu.dma_semaphore, #tpu.memory_space<semaphore_mem>>) {add = true}
        %dma_wait3A_114 = arith.constant 0 : i32
        %dma_wait3A_115 = arith.constant 0 : i32
        %dma_wait3A_116 = tpu.memref_slice %arg7[%rem3A_55, %run_scoped3A_96, %dma_wait3A_114, %dma_wait3A_115] : memref<2x2x1000x16xf32, #tpu.memory_space<vmem>> -> memref<1x1x1000x16xf32, #tpu.memory_space<vmem>>
        %dma_wait3A_117 = tpu.memref_squeeze %dma_wait3A_116 : memref<1x1x1000x16xf32, #tpu.memory_space<vmem>> -> memref<1000x16xf32, #tpu.memory_space<vmem>>
        %dma_wait3A_118 = arith.constant 0 : i32
        %dma_wait3A_119 = tpu.memref_slice %arg6[%add3A_95, %dma_wait3A_118] : memref<10x1000xi32, #tpu.memory_space<vmem>> -> memref<1x1000xi32, #tpu.memory_space<vmem>>
        %dma_wait3A_120 = tpu.memref_squeeze %dma_wait3A_119 : memref<1x1000xi32, #tpu.memory_space<vmem>> -> memref<1000xi32, #tpu.memory_space<vmem>>
        %dma_wait3A_121 = arith.constant 0 : i32
        %dma_wait3A_122 = arith.constant 0 : i32
        %dma_wait3A_123 = tpu.memref_slice %arg10[%dma_wait3A_121, %dma_wait3A_122] : memref<10112x16xf32, #tpu.memory_space<vmem_shared>> -> memref<10112x16xf32, #tpu.memory_space<vmem_shared>>
        tpu.wait_indirect_dma semaphore(%run_scoped3A_103 : memref<!tpu.dma_semaphore, #tpu.memory_space<semaphore_mem>>) src(%dma_wait3A_117 : memref<1000x16xf32, #tpu.memory_space<vmem>>) dst(%dma_wait3A_123 : memref<10112x16xf32, #tpu.memory_space<vmem_shared>>)
        tpu.yield
      }) : () -> ()
      %mul3A_97 = arith.constant 2 : i32
      %mul3A_98 = arith.muli %scan3A_53, %mul3A_97 : i32
      %add3A_99 = arith.constant 1 : i32
      %add3A_100 = arith.addi %mul3A_98, %add3A_99 : i32
      %run_scoped3A_101 = arith.constant 1 : i32
      "tpu.region"() ({
        %run_scoped3A_103 = tpu.sem_alloc : memref<!tpu.dma_semaphore, #tpu.memory_space<semaphore_mem>>
        %dma_start3A_104 = arith.constant 0 : i32
        %dma_start3A_105 = arith.constant 0 : i32
        %dma_start3A_106 = tpu.memref_slice %arg7[%rem3A_55, %run_scoped3A_101, %dma_start3A_104, %dma_start3A_105] : memref<2x2x1000x16xf32, #tpu.memory_space<vmem>> -> memref<1x1x1000x16xf32, #tpu.memory_space<vmem>>
        %dma_start3A_107 = tpu.memref_squeeze %dma_start3A_106 : memref<1x1x1000x16xf32, #tpu.memory_space<vmem>> -> memref<1000x16xf32, #tpu.memory_space<vmem>>
        %dma_start3A_108 = arith.constant 0 : i32
        %dma_start3A_109 = tpu.memref_slice %arg6[%add3A_100, %dma_start3A_108] : memref<10x1000xi32, #tpu.memory_space<vmem>> -> memref<1x1000xi32, #tpu.memory_space<vmem>>
        %dma_start3A_110 = tpu.memref_squeeze %dma_start3A_109 : memref<1x1000xi32, #tpu.memory_space<vmem>> -> memref<1000xi32, #tpu.memory_space<vmem>>
        %dma_start3A_111 = arith.constant 0 : i32
        %dma_start3A_112 = arith.constant 0 : i32
        %dma_start3A_113 = tpu.memref_slice %arg10[%dma_start3A_111, %dma_start3A_112] : memref<10112x16xf32, #tpu.memory_space<vmem_shared>> -> memref<10112x16xf32, #tpu.memory_space<vmem_shared>>
        tpu.enqueue_indirect_dma source(%dma_start3A_107 : memref<1000x16xf32, #tpu.memory_space<vmem>>) target(%dma_start3A_113 : memref<10112x16xf32, #tpu.memory_space<vmem_shared>>) offsets(%dma_start3A_110 : memref<1000xi32, #tpu.memory_space<vmem>>) semaphore(%run_scoped3A_103 : memref<!tpu.dma_semaphore, #tpu.memory_space<semaphore_mem>>) {add = true}
        %dma_wait3A_114 = arith.constant 0 : i32
        %dma_wait3A_115 = arith.constant 0 : i32
        %dma_wait3A_116 = tpu.memref_slice %arg7[%rem3A_55, %run_scoped3A_101, %dma_wait3A_114, %dma_wait3A_115] : memref<2x2x1000x16xf32, #tpu.memory_space<vmem>> -> memref<1x1x1000x16xf32, #tpu.memory_space<vmem>>
        %dma_wait3A_117 = tpu.memref_squeeze %dma_wait3A_116 : memref<1x1x1000x16xf32, #tpu.memory_space<vmem>> -> memref<1000x16xf32, #tpu.memory_space<vmem>>
        %dma_wait3A_118 = arith.constant 0 : i32
        %dma_wait3A_119 = tpu.memref_slice %arg6[%add3A_100, %dma_wait3A_118] : memref<10x1000xi32, #tpu.memory_space<vmem>> -> memref<1x1000xi32, #tpu.memory_space<vmem>>
        %dma_wait3A_120 = tpu.memref_squeeze %dma_wait3A_119 : memref<1x1000xi32, #tpu.memory_space<vmem>> -> memref<1000xi32, #tpu.memory_space<vmem>>
        %dma_wait3A_121 = arith.constant 0 : i32
        %dma_wait3A_122 = arith.constant 0 : i32
        %dma_wait3A_123 = tpu.memref_slice %arg10[%dma_wait3A_121, %dma_wait3A_122] : memref<10112x16xf32, #tpu.memory_space<vmem_shared>> -> memref<10112x16xf32, #tpu.memory_space<vmem_shared>>
        tpu.wait_indirect_dma semaphore(%run_scoped3A_103 : memref<!tpu.dma_semaphore, #tpu.memory_space<semaphore_mem>>) src(%dma_wait3A_117 : memref<1000x16xf32, #tpu.memory_space<vmem>>) dst(%dma_wait3A_123 : memref<10112x16xf32, #tpu.memory_space<vmem_shared>>)
        tpu.yield
      }) : () -> ()
      %scan3A_102 = arith.constant 0 : i32
      scf.yield %scan3A_102 : i32
    }
    %scan3A_47 = arith.constant 5 : i32
    %barrier3A_48 = arith.constant 0 : index
    tpu.barrier barrier_id(%barrier3A_48)
    %mul3A_49 = arith.constant 632 : i32
    %mul3A_50 = arith.muli %arg1, %mul3A_49 : i32
    %mul3A_51 = arith.constant 632 : i32
    %mul3A_52 = arith.muli %arg1, %mul3A_51 : i32
    "tpu.region"() ({
      %run_scoped3A_53 = tpu.sem_alloc : memref<!tpu.dma_semaphore, #tpu.memory_space<semaphore_mem>>
      %dma_start3A_54 = arith.constant 0 : i32
      %dma_start3A_55 = tpu.memref_slice %arg4[%arg0, %mul3A_52, %dma_start3A_54] : memref<2x10112x16xf32, #tpu.memory_space<hbm>> -> memref<1x632x16xf32, #tpu.memory_space<hbm>>
      %dma_start3A_56 = tpu.memref_squeeze %dma_start3A_55 : memref<1x632x16xf32, #tpu.memory_space<hbm>> -> memref<632x16xf32, #tpu.memory_space<hbm>>
      %dma_start3A_57 = arith.constant 0 : i32
      %dma_start3A_58 = tpu.memref_slice %arg10[%mul3A_50, %dma_start3A_57] : memref<10112x16xf32, #tpu.memory_space<vmem_shared>> -> memref<632x16xf32, #tpu.memory_space<vmem_shared>>
      tpu.enqueue_dma source(%dma_start3A_58 : memref<632x16xf32, #tpu.memory_space<vmem_shared>>) target(%dma_start3A_56 : memref<632x16xf32, #tpu.memory_space<hbm>>) target_semaphore(%run_scoped3A_53 : memref<!tpu.dma_semaphore, #tpu.memory_space<semaphore_mem>>)
      %dma_wait3A = arith.constant 0 : i32
      %dma_wait3A_59 = tpu.memref_slice %arg4[%arg0, %mul3A_52, %dma_wait3A] : memref<2x10112x16xf32, #tpu.memory_space<hbm>> -> memref<1x632x16xf32, #tpu.memory_space<hbm>>
      %dma_wait3A_60 = tpu.memref_squeeze %dma_wait3A_59 : memref<1x632x16xf32, #tpu.memory_space<hbm>> -> memref<632x16xf32, #tpu.memory_space<hbm>>
      %dma_wait3A_61 = arith.constant 0 : i32
      %dma_wait3A_62 = tpu.memref_slice %arg10[%mul3A_50, %dma_wait3A_61] : memref<10112x16xf32, #tpu.memory_space<vmem_shared>> -> memref<632x16xf32, #tpu.memory_space<vmem_shared>>
      tpu.wait_dma2 semaphore(%run_scoped3A_53 : memref<!tpu.dma_semaphore, #tpu.memory_space<semaphore_mem>>) src(%dma_wait3A_62 : memref<632x16xf32, #tpu.memory_space<vmem_shared>>) dst(%dma_wait3A_60 : memref<632x16xf32, #tpu.memory_space<hbm>>)
      tpu.yield
    }) : () -> ()
    return
  }
}

#map = affine_map<(d0, d1) -> (0, 0, 0, 0)>
#map1 = affine_map<(d0, d1) -> (0, 0, 0)>
module attributes {stable_mosaic.version = 14 : i64} {
  func.func @sc_degree(%arg0: i32, %arg1: i32, %arg2: memref<2x32x10x1000xi32, #tpu.memory_space<hbm>>, %arg3: memref<2x10112x16xf32, #tpu.memory_space<hbm>>, %arg4: memref<10x1000xi32, #tpu.memory_space<vmem>>, %arg5: memref<1000x16xf32, #tpu.memory_space<vmem>>, %arg6: memref<632x16xf32, #tpu.memory_space<vmem>>, %arg7: memref<10112x16xf32, #tpu.memory_space<vmem_shared>>) attributes {dimension_semantics = [#tpu.dimension_semantics<core_parallel>, #tpu.dimension_semantics<subcore_parallel>], iteration_bounds = array<i64: 2, 16>, scalar_prefetch = 0 : i64, scratch_operands = 4 : i64, tpu.core_type = #tpu.core_type<sc_vector_subcore>, window_params = [{transform_indices = #map}, {transform_indices = #map1}]} {
    %mul3A = arith.constant 2 : i32
    %mul3A_0 = arith.muli %arg1, %mul3A : i32
    %add3A = arith.addi %mul3A_0, %arg0 : i32
    %scan3A = arith.constant 0 : i32
    %scan3A_1 = arith.constant 0 : i32
    %scan3A_2 = arith.constant 632 : i32
    %scan3A_3 = arith.addi %scan3A_1, %scan3A_2 : i32
    %scan3A_4 = arith.constant 8 : i32
    %scan3A_5 = scf.for %scan3A_28 = %scan3A_1 to %scan3A_3 step %scan3A_4 iter_args(%scan3A_29 = %scan3A) -> (i32)  : i32 {
      %broadcast_in_dim3A = arith.constant 0.000000e+00 : f32
      %broadcast_in_dim3A_30 = vector.broadcast %broadcast_in_dim3A : f32 to vector<16xf32>
      %swap3A = arith.index_cast %scan3A_28 : i32 to index
      %swap3A_31 = arith.constant 0 : index
      %swap3A_32 = tpu.vector_load %arg6[%swap3A, %swap3A_31] {strides = array<i32>} : memref<632x16xf32, #tpu.memory_space<vmem>>, vector<1x16xf32>,
      %swap3A_33 = vector.shape_cast %swap3A_32 : vector<1x16xf32> to vector<16xf32>
      %swap3A_34 = vector.shape_cast %broadcast_in_dim3A_30 : vector<16xf32> to vector<1x16xf32>
      tpu.vector_store %arg6[%swap3A, %swap3A_31], %swap3A_34 {strides = array<i32>} : memref<632x16xf32, #tpu.memory_space<vmem>>, vector<1x16xf32>,
      %scan3A_35 = arith.constant 0 : i32
      %scan3A_36 = arith.constant 1 : i32
      %scan3A_37 = arith.addi %scan3A_28, %scan3A_36 : i32
      %broadcast_in_dim3A_38 = arith.constant 0.000000e+00 : f32
      %broadcast_in_dim3A_39 = vector.broadcast %broadcast_in_dim3A_38 : f32 to vector<16xf32>
      %swap3A_40 = arith.index_cast %scan3A_37 : i32 to index
      %swap3A_41 = arith.constant 0 : index
      %swap3A_42 = tpu.vector_load %arg6[%swap3A_40, %swap3A_41] {strides = array<i32>} : memref<632x16xf32, #tpu.memory_space<vmem>>, vector<1x16xf32>,
      %swap3A_43 = vector.shape_cast %swap3A_42 : vector<1x16xf32> to vector<16xf32>
      %swap3A_44 = vector.shape_cast %broadcast_in_dim3A_39 : vector<16xf32> to vector<1x16xf32>
      tpu.vector_store %arg6[%swap3A_40, %swap3A_41], %swap3A_44 {strides = array<i32>} : memref<632x16xf32, #tpu.memory_space<vmem>>, vector<1x16xf32>,
      %scan3A_45 = arith.constant 0 : i32
      %scan3A_46 = arith.constant 2 : i32
      %scan3A_47 = arith.addi %scan3A_28, %scan3A_46 : i32
      %broadcast_in_dim3A_48 = arith.constant 0.000000e+00 : f32
      %broadcast_in_dim3A_49 = vector.broadcast %broadcast_in_dim3A_48 : f32 to vector<16xf32>
      %swap3A_50 = arith.index_cast %scan3A_47 : i32 to index
      %swap3A_51 = arith.constant 0 : index
      %swap3A_52 = tpu.vector_load %arg6[%swap3A_50, %swap3A_51] {strides = array<i32>} : memref<632x16xf32, #tpu.memory_space<vmem>>, vector<1x16xf32>,
      %swap3A_53 = vector.shape_cast %swap3A_52 : vector<1x16xf32> to vector<16xf32>
      %swap3A_54 = vector.shape_cast %broadcast_in_dim3A_49 : vector<16xf32> to vector<1x16xf32>
      tpu.vector_store %arg6[%swap3A_50, %swap3A_51], %swap3A_54 {strides = array<i32>} : memref<632x16xf32, #tpu.memory_space<vmem>>, vector<1x16xf32>,
      %scan3A_55 = arith.constant 0 : i32
      %scan3A_56 = arith.constant 3 : i32
      %scan3A_57 = arith.addi %scan3A_28, %scan3A_56 : i32
      %broadcast_in_dim3A_58 = arith.constant 0.000000e+00 : f32
      %broadcast_in_dim3A_59 = vector.broadcast %broadcast_in_dim3A_58 : f32 to vector<16xf32>
      %swap3A_60 = arith.index_cast %scan3A_57 : i32 to index
      %swap3A_61 = arith.constant 0 : index
      %swap3A_62 = tpu.vector_load %arg6[%swap3A_60, %swap3A_61] {strides = array<i32>} : memref<632x16xf32, #tpu.memory_space<vmem>>, vector<1x16xf32>,
      %swap3A_63 = vector.shape_cast %swap3A_62 : vector<1x16xf32> to vector<16xf32>
      %swap3A_64 = vector.shape_cast %broadcast_in_dim3A_59 : vector<16xf32> to vector<1x16xf32>
      tpu.vector_store %arg6[%swap3A_60, %swap3A_61], %swap3A_64 {strides = array<i32>} : memref<632x16xf32, #tpu.memory_space<vmem>>, vector<1x16xf32>,
      %scan3A_65 = arith.constant 0 : i32
      %scan3A_66 = arith.constant 4 : i32
      %scan3A_67 = arith.addi %scan3A_28, %scan3A_66 : i32
      %broadcast_in_dim3A_68 = arith.constant 0.000000e+00 : f32
      %broadcast_in_dim3A_69 = vector.broadcast %broadcast_in_dim3A_68 : f32 to vector<16xf32>
      %swap3A_70 = arith.index_cast %scan3A_67 : i32 to index
      %swap3A_71 = arith.constant 0 : index
      %swap3A_72 = tpu.vector_load %arg6[%swap3A_70, %swap3A_71] {strides = array<i32>} : memref<632x16xf32, #tpu.memory_space<vmem>>, vector<1x16xf32>,
      %swap3A_73 = vector.shape_cast %swap3A_72 : vector<1x16xf32> to vector<16xf32>
      %swap3A_74 = vector.shape_cast %broadcast_in_dim3A_69 : vector<16xf32> to vector<1x16xf32>
      tpu.vector_store %arg6[%swap3A_70, %swap3A_71], %swap3A_74 {strides = array<i32>} : memref<632x16xf32, #tpu.memory_space<vmem>>, vector<1x16xf32>,
      %scan3A_75 = arith.constant 0 : i32
      %scan3A_76 = arith.constant 5 : i32
      %scan3A_77 = arith.addi %scan3A_28, %scan3A_76 : i32
      %broadcast_in_dim3A_78 = arith.constant 0.000000e+00 : f32
      %broadcast_in_dim3A_79 = vector.broadcast %broadcast_in_dim3A_78 : f32 to vector<16xf32>
      %swap3A_80 = arith.index_cast %scan3A_77 : i32 to index
      %swap3A_81 = arith.constant 0 : index
      %swap3A_82 = tpu.vector_load %arg6[%swap3A_80, %swap3A_81] {strides = array<i32>} : memref<632x16xf32, #tpu.memory_space<vmem>>, vector<1x16xf32>,
      %swap3A_83 = vector.shape_cast %swap3A_82 : vector<1x16xf32> to vector<16xf32>
      %swap3A_84 = vector.shape_cast %broadcast_in_dim3A_79 : vector<16xf32> to vector<1x16xf32>
      tpu.vector_store %arg6[%swap3A_80, %swap3A_81], %swap3A_84 {strides = array<i32>} : memref<632x16xf32, #tpu.memory_space<vmem>>, vector<1x16xf32>,
      %scan3A_85 = arith.constant 0 : i32
      %scan3A_86 = arith.constant 6 : i32
      %scan3A_87 = arith.addi %scan3A_28, %scan3A_86 : i32
      %broadcast_in_dim3A_88 = arith.constant 0.000000e+00 : f32
      %broadcast_in_dim3A_89 = vector.broadcast %broadcast_in_dim3A_88 : f32 to vector<16xf32>
      %swap3A_90 = arith.index_cast %scan3A_87 : i32 to index
      %swap3A_91 = arith.constant 0 : index
      %swap3A_92 = tpu.vector_load %arg6[%swap3A_90, %swap3A_91] {strides = array<i32>} : memref<632x16xf32, #tpu.memory_space<vmem>>, vector<1x16xf32>,
      %swap3A_93 = vector.shape_cast %swap3A_92 : vector<1x16xf32> to vector<16xf32>
      %swap3A_94 = vector.shape_cast %broadcast_in_dim3A_89 : vector<16xf32> to vector<1x16xf32>
      tpu.vector_store %arg6[%swap3A_90, %swap3A_91], %swap3A_94 {strides = array<i32>} : memref<632x16xf32, #tpu.memory_space<vmem>>, vector<1x16xf32>,
      %scan3A_95 = arith.constant 0 : i32
      %scan3A_96 = arith.constant 7 : i32
      %scan3A_97 = arith.addi %scan3A_28, %scan3A_96 : i32
      %broadcast_in_dim3A_98 = arith.constant 0.000000e+00 : f32
      %broadcast_in_dim3A_99 = vector.broadcast %broadcast_in_dim3A_98 : f32 to vector<16xf32>
      %swap3A_100 = arith.index_cast %scan3A_97 : i32 to index
      %swap3A_101 = arith.constant 0 : index
      %swap3A_102 = tpu.vector_load %arg6[%swap3A_100, %swap3A_101] {strides = array<i32>} : memref<632x16xf32, #tpu.memory_space<vmem>>, vector<1x16xf32>,
      %swap3A_103 = vector.shape_cast %swap3A_102 : vector<1x16xf32> to vector<16xf32>
      %swap3A_104 = vector.shape_cast %broadcast_in_dim3A_99 : vector<16xf32> to vector<1x16xf32>
      tpu.vector_store %arg6[%swap3A_100, %swap3A_101], %swap3A_104 {strides = array<i32>} : memref<632x16xf32, #tpu.memory_space<vmem>>, vector<1x16xf32>,
      %scan3A_105 = arith.constant 0 : i32
      scf.yield %scan3A_105 : i32
    }
    %scan3A_6 = arith.constant 632 : i32
    %mul3A_7 = arith.constant 632 : i32
    %mul3A_8 = arith.muli %arg1, %mul3A_7 : i32
    "tpu.region"() ({
      %run_scoped3A_28 = tpu.sem_alloc : memref<!tpu.dma_semaphore, #tpu.memory_space<semaphore_mem>>
      %dma_start3A = arith.constant 0 : i32
      %dma_start3A_29 = tpu.memref_slice %arg7[%mul3A_8, %dma_start3A] : memref<10112x16xf32, #tpu.memory_space<vmem_shared>> -> memref<632x16xf32, #tpu.memory_space<vmem_shared>>
      %dma_start3A_30 = arith.constant 0 : i32
      %dma_start3A_31 = tpu.memref_slice %arg7[%mul3A_8, %dma_start3A_30] : memref<10112x16xf32, #tpu.memory_space<vmem_shared>> -> memref<632x16xf32, #tpu.memory_space<vmem_shared>>
      tpu.enqueue_dma source(%arg6 : memref<632x16xf32, #tpu.memory_space<vmem>>) target(%dma_start3A_31 : memref<632x16xf32, #tpu.memory_space<vmem_shared>>) target_semaphore(%run_scoped3A_28 : memref<!tpu.dma_semaphore, #tpu.memory_space<semaphore_mem>>)
      %dma_wait3A = arith.constant 0 : i32
      %dma_wait3A_32 = tpu.memref_slice %arg7[%mul3A_8, %dma_wait3A] : memref<10112x16xf32, #tpu.memory_space<vmem_shared>> -> memref<632x16xf32, #tpu.memory_space<vmem_shared>>
      %dma_wait3A_33 = arith.constant 0 : i32
      %dma_wait3A_34 = tpu.memref_slice %arg7[%mul3A_8, %dma_wait3A_33] : memref<10112x16xf32, #tpu.memory_space<vmem_shared>> -> memref<632x16xf32, #tpu.memory_space<vmem_shared>>
      tpu.wait_dma2 semaphore(%run_scoped3A_28 : memref<!tpu.dma_semaphore, #tpu.memory_space<semaphore_mem>>) src(%arg6 : memref<632x16xf32, #tpu.memory_space<vmem>>) dst(%dma_wait3A_34 : memref<632x16xf32, #tpu.memory_space<vmem_shared>>)
      tpu.yield
    }) : () -> ()
    %scan3A_9 = arith.constant 0 : i32
    %scan3A_10 = arith.constant 0 : i32
    %scan3A_11 = arith.constant 1000 : i32
    %scan3A_12 = arith.addi %scan3A_10, %scan3A_11 : i32
    %scan3A_13 = arith.constant 8 : i32
    %scan3A_14 = scf.for %scan3A_28 = %scan3A_10 to %scan3A_12 step %scan3A_13 iter_args(%scan3A_29 = %scan3A_9) -> (i32)  : i32 {
      %broadcast_in_dim3A = arith.constant 1.000000e+00 : f32
      %broadcast_in_dim3A_30 = vector.broadcast %broadcast_in_dim3A : f32 to vector<16xf32>
      %swap3A = arith.index_cast %scan3A_28 : i32 to index
      %swap3A_31 = arith.constant 0 : index
      %swap3A_32 = tpu.vector_load %arg5[%swap3A, %swap3A_31] {strides = array<i32>} : memref<1000x16xf32, #tpu.memory_space<vmem>>, vector<1x16xf32>,
      %swap3A_33 = vector.shape_cast %swap3A_32 : vector<1x16xf32> to vector<16xf32>
      %swap3A_34 = vector.shape_cast %broadcast_in_dim3A_30 : vector<16xf32> to vector<1x16xf32>
      tpu.vector_store %arg5[%swap3A, %swap3A_31], %swap3A_34 {strides = array<i32>} : memref<1000x16xf32, #tpu.memory_space<vmem>>, vector<1x16xf32>,
      %scan3A_35 = arith.constant 0 : i32
      %scan3A_36 = arith.constant 1 : i32
      %scan3A_37 = arith.addi %scan3A_28, %scan3A_36 : i32
      %broadcast_in_dim3A_38 = arith.constant 1.000000e+00 : f32
      %broadcast_in_dim3A_39 = vector.broadcast %broadcast_in_dim3A_38 : f32 to vector<16xf32>
      %swap3A_40 = arith.index_cast %scan3A_37 : i32 to index
      %swap3A_41 = arith.constant 0 : index
      %swap3A_42 = tpu.vector_load %arg5[%swap3A_40, %swap3A_41] {strides = array<i32>} : memref<1000x16xf32, #tpu.memory_space<vmem>>, vector<1x16xf32>,
      %swap3A_43 = vector.shape_cast %swap3A_42 : vector<1x16xf32> to vector<16xf32>
      %swap3A_44 = vector.shape_cast %broadcast_in_dim3A_39 : vector<16xf32> to vector<1x16xf32>
      tpu.vector_store %arg5[%swap3A_40, %swap3A_41], %swap3A_44 {strides = array<i32>} : memref<1000x16xf32, #tpu.memory_space<vmem>>, vector<1x16xf32>,
      %scan3A_45 = arith.constant 0 : i32
      %scan3A_46 = arith.constant 2 : i32
      %scan3A_47 = arith.addi %scan3A_28, %scan3A_46 : i32
      %broadcast_in_dim3A_48 = arith.constant 1.000000e+00 : f32
      %broadcast_in_dim3A_49 = vector.broadcast %broadcast_in_dim3A_48 : f32 to vector<16xf32>
      %swap3A_50 = arith.index_cast %scan3A_47 : i32 to index
      %swap3A_51 = arith.constant 0 : index
      %swap3A_52 = tpu.vector_load %arg5[%swap3A_50, %swap3A_51] {strides = array<i32>} : memref<1000x16xf32, #tpu.memory_space<vmem>>, vector<1x16xf32>,
      %swap3A_53 = vector.shape_cast %swap3A_52 : vector<1x16xf32> to vector<16xf32>
      %swap3A_54 = vector.shape_cast %broadcast_in_dim3A_49 : vector<16xf32> to vector<1x16xf32>
      tpu.vector_store %arg5[%swap3A_50, %swap3A_51], %swap3A_54 {strides = array<i32>} : memref<1000x16xf32, #tpu.memory_space<vmem>>, vector<1x16xf32>,
      %scan3A_55 = arith.constant 0 : i32
      %scan3A_56 = arith.constant 3 : i32
      %scan3A_57 = arith.addi %scan3A_28, %scan3A_56 : i32
      %broadcast_in_dim3A_58 = arith.constant 1.000000e+00 : f32
      %broadcast_in_dim3A_59 = vector.broadcast %broadcast_in_dim3A_58 : f32 to vector<16xf32>
      %swap3A_60 = arith.index_cast %scan3A_57 : i32 to index
      %swap3A_61 = arith.constant 0 : index
      %swap3A_62 = tpu.vector_load %arg5[%swap3A_60, %swap3A_61] {strides = array<i32>} : memref<1000x16xf32, #tpu.memory_space<vmem>>, vector<1x16xf32>,
      %swap3A_63 = vector.shape_cast %swap3A_62 : vector<1x16xf32> to vector<16xf32>
      %swap3A_64 = vector.shape_cast %broadcast_in_dim3A_59 : vector<16xf32> to vector<1x16xf32>
      tpu.vector_store %arg5[%swap3A_60, %swap3A_61], %swap3A_64 {strides = array<i32>} : memref<1000x16xf32, #tpu.memory_space<vmem>>, vector<1x16xf32>,
      %scan3A_65 = arith.constant 0 : i32
      %scan3A_66 = arith.constant 4 : i32
      %scan3A_67 = arith.addi %scan3A_28, %scan3A_66 : i32
      %broadcast_in_dim3A_68 = arith.constant 1.000000e+00 : f32
      %broadcast_in_dim3A_69 = vector.broadcast %broadcast_in_dim3A_68 : f32 to vector<16xf32>
      %swap3A_70 = arith.index_cast %scan3A_67 : i32 to index
      %swap3A_71 = arith.constant 0 : index
      %swap3A_72 = tpu.vector_load %arg5[%swap3A_70, %swap3A_71] {strides = array<i32>} : memref<1000x16xf32, #tpu.memory_space<vmem>>, vector<1x16xf32>,
      %swap3A_73 = vector.shape_cast %swap3A_72 : vector<1x16xf32> to vector<16xf32>
      %swap3A_74 = vector.shape_cast %broadcast_in_dim3A_69 : vector<16xf32> to vector<1x16xf32>
      tpu.vector_store %arg5[%swap3A_70, %swap3A_71], %swap3A_74 {strides = array<i32>} : memref<1000x16xf32, #tpu.memory_space<vmem>>, vector<1x16xf32>,
      %scan3A_75 = arith.constant 0 : i32
      %scan3A_76 = arith.constant 5 : i32
      %scan3A_77 = arith.addi %scan3A_28, %scan3A_76 : i32
      %broadcast_in_dim3A_78 = arith.constant 1.000000e+00 : f32
      %broadcast_in_dim3A_79 = vector.broadcast %broadcast_in_dim3A_78 : f32 to vector<16xf32>
      %swap3A_80 = arith.index_cast %scan3A_77 : i32 to index
      %swap3A_81 = arith.constant 0 : index
      %swap3A_82 = tpu.vector_load %arg5[%swap3A_80, %swap3A_81] {strides = array<i32>} : memref<1000x16xf32, #tpu.memory_space<vmem>>, vector<1x16xf32>,
      %swap3A_83 = vector.shape_cast %swap3A_82 : vector<1x16xf32> to vector<16xf32>
      %swap3A_84 = vector.shape_cast %broadcast_in_dim3A_79 : vector<16xf32> to vector<1x16xf32>
      tpu.vector_store %arg5[%swap3A_80, %swap3A_81], %swap3A_84 {strides = array<i32>} : memref<1000x16xf32, #tpu.memory_space<vmem>>, vector<1x16xf32>,
      %scan3A_85 = arith.constant 0 : i32
      %scan3A_86 = arith.constant 6 : i32
      %scan3A_87 = arith.addi %scan3A_28, %scan3A_86 : i32
      %broadcast_in_dim3A_88 = arith.constant 1.000000e+00 : f32
      %broadcast_in_dim3A_89 = vector.broadcast %broadcast_in_dim3A_88 : f32 to vector<16xf32>
      %swap3A_90 = arith.index_cast %scan3A_87 : i32 to index
      %swap3A_91 = arith.constant 0 : index
      %swap3A_92 = tpu.vector_load %arg5[%swap3A_90, %swap3A_91] {strides = array<i32>} : memref<1000x16xf32, #tpu.memory_space<vmem>>, vector<1x16xf32>,
      %swap3A_93 = vector.shape_cast %swap3A_92 : vector<1x16xf32> to vector<16xf32>
      %swap3A_94 = vector.shape_cast %broadcast_in_dim3A_89 : vector<16xf32> to vector<1x16xf32>
      tpu.vector_store %arg5[%swap3A_90, %swap3A_91], %swap3A_94 {strides = array<i32>} : memref<1000x16xf32, #tpu.memory_space<vmem>>, vector<1x16xf32>,
      %scan3A_95 = arith.constant 0 : i32
      %scan3A_96 = arith.constant 7 : i32
      %scan3A_97 = arith.addi %scan3A_28, %scan3A_96 : i32
      %broadcast_in_dim3A_98 = arith.constant 1.000000e+00 : f32
      %broadcast_in_dim3A_99 = vector.broadcast %broadcast_in_dim3A_98 : f32 to vector<16xf32>
      %swap3A_100 = arith.index_cast %scan3A_97 : i32 to index
      %swap3A_101 = arith.constant 0 : index
      %swap3A_102 = tpu.vector_load %arg5[%swap3A_100, %swap3A_101] {strides = array<i32>} : memref<1000x16xf32, #tpu.memory_space<vmem>>, vector<1x16xf32>,
      %swap3A_103 = vector.shape_cast %swap3A_102 : vector<1x16xf32> to vector<16xf32>
      %swap3A_104 = vector.shape_cast %broadcast_in_dim3A_99 : vector<16xf32> to vector<1x16xf32>
      tpu.vector_store %arg5[%swap3A_100, %swap3A_101], %swap3A_104 {strides = array<i32>} : memref<1000x16xf32, #tpu.memory_space<vmem>>, vector<1x16xf32>,
      %scan3A_105 = arith.constant 0 : i32
      scf.yield %scan3A_105 : i32
    }
    %scan3A_15 = arith.constant 1000 : i32
    %run_scoped3A = arith.constant 1 : i32
    "tpu.region"() ({
      %run_scoped3A_28 = tpu.sem_alloc : memref<!tpu.dma_semaphore, #tpu.memory_space<semaphore_mem>>
      %dma_start3A = arith.constant 0 : i32
      %dma_start3A_29 = arith.constant 0 : i32
      %dma_start3A_30 = tpu.memref_slice %arg2[%run_scoped3A, %add3A, %dma_start3A, %dma_start3A_29] : memref<2x32x10x1000xi32, #tpu.memory_space<hbm>> -> memref<1x1x10x1000xi32, #tpu.memory_space<hbm>>
      %dma_start3A_31 = tpu.memref_squeeze %dma_start3A_30 : memref<1x1x10x1000xi32, #tpu.memory_space<hbm>> -> memref<10x1000xi32, #tpu.memory_space<hbm>>
      %dma_start3A_32 = arith.constant 0 : i32
      %dma_start3A_33 = arith.constant 0 : i32
      %dma_start3A_34 = tpu.memref_slice %arg2[%run_scoped3A, %add3A, %dma_start3A_32, %dma_start3A_33] : memref<2x32x10x1000xi32, #tpu.memory_space<hbm>> -> memref<1x1x10x1000xi32, #tpu.memory_space<hbm>>
      %dma_start3A_35 = tpu.memref_squeeze %dma_start3A_34 : memref<1x1x10x1000xi32, #tpu.memory_space<hbm>> -> memref<10x1000xi32, #tpu.memory_space<hbm>>
      tpu.enqueue_dma source(%dma_start3A_35 : memref<10x1000xi32, #tpu.memory_space<hbm>>) target(%arg4 : memref<10x1000xi32, #tpu.memory_space<vmem>>) target_semaphore(%run_scoped3A_28 : memref<!tpu.dma_semaphore, #tpu.memory_space<semaphore_mem>>)
      %dma_wait3A = arith.constant 0 : i32
      %dma_wait3A_36 = arith.constant 0 : i32
      %dma_wait3A_37 = tpu.memref_slice %arg2[%run_scoped3A, %add3A, %dma_wait3A, %dma_wait3A_36] : memref<2x32x10x1000xi32, #tpu.memory_space<hbm>> -> memref<1x1x10x1000xi32, #tpu.memory_space<hbm>>
      %dma_wait3A_38 = tpu.memref_squeeze %dma_wait3A_37 : memref<1x1x10x1000xi32, #tpu.memory_space<hbm>> -> memref<10x1000xi32, #tpu.memory_space<hbm>>
      %dma_wait3A_39 = arith.constant 0 : i32
      %dma_wait3A_40 = arith.constant 0 : i32
      %dma_wait3A_41 = tpu.memref_slice %arg2[%run_scoped3A, %add3A, %dma_wait3A_39, %dma_wait3A_40] : memref<2x32x10x1000xi32, #tpu.memory_space<hbm>> -> memref<1x1x10x1000xi32, #tpu.memory_space<hbm>>
      %dma_wait3A_42 = tpu.memref_squeeze %dma_wait3A_41 : memref<1x1x10x1000xi32, #tpu.memory_space<hbm>> -> memref<10x1000xi32, #tpu.memory_space<hbm>>
      tpu.wait_dma2 semaphore(%run_scoped3A_28 : memref<!tpu.dma_semaphore, #tpu.memory_space<semaphore_mem>>) src(%dma_wait3A_42 : memref<10x1000xi32, #tpu.memory_space<hbm>>) dst(%arg4 : memref<10x1000xi32, #tpu.memory_space<vmem>>)
      tpu.yield
    }) : () -> ()
    %barrier3A = arith.constant 0 : index
    tpu.barrier barrier_id(%barrier3A)
    %scan3A_16 = arith.constant 0 : i32
    %scan3A_17 = arith.constant 0 : i32
    %scan3A_18 = arith.constant 10 : i32
    %scan3A_19 = arith.addi %scan3A_17, %scan3A_18 : i32
    %scan3A_20 = arith.constant 1 : i32
    %scan3A_21 = scf.for %scan3A_28 = %scan3A_17 to %scan3A_19 step %scan3A_20 iter_args(%scan3A_29 = %scan3A_16) -> (i32)  : i32 {
      "tpu.region"() ({
        %run_scoped3A_31 = tpu.sem_alloc : memref<!tpu.dma_semaphore, #tpu.memory_space<semaphore_mem>>
        %dma_start3A = arith.constant 0 : i32
        %dma_start3A_32 = tpu.memref_slice %arg4[%scan3A_28, %dma_start3A] : memref<10x1000xi32, #tpu.memory_space<vmem>> -> memref<1x1000xi32, #tpu.memory_space<vmem>>
        %dma_start3A_33 = tpu.memref_squeeze %dma_start3A_32 : memref<1x1000xi32, #tpu.memory_space<vmem>> -> memref<1000xi32, #tpu.memory_space<vmem>>
        %dma_start3A_34 = arith.constant 0 : i32
        %dma_start3A_35 = arith.constant 0 : i32
        %dma_start3A_36 = tpu.memref_slice %arg7[%dma_start3A_34, %dma_start3A_35] : memref<10112x16xf32, #tpu.memory_space<vmem_shared>> -> memref<10112x16xf32, #tpu.memory_space<vmem_shared>>
        tpu.enqueue_indirect_dma source(%arg5 : memref<1000x16xf32, #tpu.memory_space<vmem>>) target(%dma_start3A_36 : memref<10112x16xf32, #tpu.memory_space<vmem_shared>>) offsets(%dma_start3A_33 : memref<1000xi32, #tpu.memory_space<vmem>>) semaphore(%run_scoped3A_31 : memref<!tpu.dma_semaphore, #tpu.memory_space<semaphore_mem>>) {add = true}
        %dma_wait3A = arith.constant 0 : i32
        %dma_wait3A_37 = tpu.memref_slice %arg4[%scan3A_28, %dma_wait3A] : memref<10x1000xi32, #tpu.memory_space<vmem>> -> memref<1x1000xi32, #tpu.memory_space<vmem>>
        %dma_wait3A_38 = tpu.memref_squeeze %dma_wait3A_37 : memref<1x1000xi32, #tpu.memory_space<vmem>> -> memref<1000xi32, #tpu.memory_space<vmem>>
        %dma_wait3A_39 = arith.constant 0 : i32
        %dma_wait3A_40 = arith.constant 0 : i32
        %dma_wait3A_41 = tpu.memref_slice %arg7[%dma_wait3A_39, %dma_wait3A_40] : memref<10112x16xf32, #tpu.memory_space<vmem_shared>> -> memref<10112x16xf32, #tpu.memory_space<vmem_shared>>
        tpu.wait_indirect_dma semaphore(%run_scoped3A_31 : memref<!tpu.dma_semaphore, #tpu.memory_space<semaphore_mem>>) src(%arg5 : memref<1000x16xf32, #tpu.memory_space<vmem>>) dst(%dma_wait3A_41 : memref<10112x16xf32, #tpu.memory_space<vmem_shared>>)
        tpu.yield
      }) : () -> ()
      %scan3A_30 = arith.constant 0 : i32
      scf.yield %scan3A_30 : i32
    }
    %scan3A_22 = arith.constant 10 : i32
    %barrier3A_23 = arith.constant 0 : index
    tpu.barrier barrier_id(%barrier3A_23)
    %mul3A_24 = arith.constant 632 : i32
    %mul3A_25 = arith.muli %arg1, %mul3A_24 : i32
    %mul3A_26 = arith.constant 632 : i32
    %mul3A_27 = arith.muli %arg1, %mul3A_26 : i32
    "tpu.region"() ({
      %run_scoped3A_28 = tpu.sem_alloc : memref<!tpu.dma_semaphore, #tpu.memory_space<semaphore_mem>>
      %dma_start3A = arith.constant 0 : i32
      %dma_start3A_29 = tpu.memref_slice %arg3[%arg0, %mul3A_27, %dma_start3A] : memref<2x10112x16xf32, #tpu.memory_space<hbm>> -> memref<1x632x16xf32, #tpu.memory_space<hbm>>
      %dma_start3A_30 = tpu.memref_squeeze %dma_start3A_29 : memref<1x632x16xf32, #tpu.memory_space<hbm>> -> memref<632x16xf32, #tpu.memory_space<hbm>>
      %dma_start3A_31 = arith.constant 0 : i32
      %dma_start3A_32 = tpu.memref_slice %arg7[%mul3A_25, %dma_start3A_31] : memref<10112x16xf32, #tpu.memory_space<vmem_shared>> -> memref<632x16xf32, #tpu.memory_space<vmem_shared>>
      tpu.enqueue_dma source(%dma_start3A_32 : memref<632x16xf32, #tpu.memory_space<vmem_shared>>) target(%dma_start3A_30 : memref<632x16xf32, #tpu.memory_space<hbm>>) target_semaphore(%run_scoped3A_28 : memref<!tpu.dma_semaphore, #tpu.memory_space<semaphore_mem>>)
      %dma_wait3A = arith.constant 0 : i32
      %dma_wait3A_33 = tpu.memref_slice %arg3[%arg0, %mul3A_27, %dma_wait3A] : memref<2x10112x16xf32, #tpu.memory_space<hbm>> -> memref<1x632x16xf32, #tpu.memory_space<hbm>>
      %dma_wait3A_34 = tpu.memref_squeeze %dma_wait3A_33 : memref<1x632x16xf32, #tpu.memory_space<hbm>> -> memref<632x16xf32, #tpu.memory_space<hbm>>
      %dma_wait3A_35 = arith.constant 0 : i32
      %dma_wait3A_36 = tpu.memref_slice %arg7[%mul3A_25, %dma_wait3A_35] : memref<10112x16xf32, #tpu.memory_space<vmem_shared>> -> memref<632x16xf32, #tpu.memory_space<vmem_shared>>
      tpu.wait_dma2 semaphore(%run_scoped3A_28 : memref<!tpu.dma_semaphore, #tpu.memory_space<semaphore_mem>>) src(%dma_wait3A_36 : memref<632x16xf32, #tpu.memory_space<vmem_shared>>) dst(%dma_wait3A_34 : memref<632x16xf32, #tpu.memory_space<hbm>>)
      tpu.yield
    }) : () -> ()
    return
  }
}

module attributes {stable_mosaic.version = 14 : i64} {
  func.func @_norm_body(%arg0: memref<1250x128xf32, #tpu.memory_space<vmem>>, %arg1: memref<2x1264x128xf32, #tpu.memory_space<vmem>>, %arg2: memref<1250x128xf32, #tpu.memory_space<vmem>>, %arg3: memref<1250x128xf32, #tpu.memory_space<vmem>>) attributes {dimension_semantics = [], scalar_prefetch = 0 : i64, scratch_operands = 0 : i64, tpu.core_type = #tpu.core_type<tc>} {
    %get3A = arith.constant 0 : index
    %get3A_0 = arith.constant 0 : index
    %get3A_1 = arith.constant 0 : index
    %get3A_2 = vector.load %arg1[%get3A, %get3A_0, %get3A_1] : memref<2x1264x128xf32, #tpu.memory_space<vmem>>, vector<1x1250x128xf32>
    %get3A_3 = vector.shape_cast %get3A_2 : vector<1x1250x128xf32> to vector<1250x128xf32>
    %get3A_4 = arith.constant 1 : index
    %get3A_5 = arith.constant 0 : index
    %get3A_6 = arith.constant 0 : index
    %get3A_7 = vector.load %arg1[%get3A_4, %get3A_5, %get3A_6] : memref<2x1264x128xf32, #tpu.memory_space<vmem>>, vector<1x1250x128xf32>
    %get3A_8 = vector.shape_cast %get3A_7 : vector<1x1250x128xf32> to vector<1250x128xf32>
    %add3A = arith.addf %get3A_3, %get3A_8 : vector<1250x128xf32>
    %add3A_9 = arith.constant 1.000000e+00 : f32
    %add3A_10 = vector.broadcast %add3A_9 : f32 to vector<1250x128xf32>
    %add3A_11 = arith.addf %add3A, %add3A_10 : vector<1250x128xf32>
    %rsqrt3A = math.rsqrt %add3A_11 : vector<1250x128xf32>
    %swap3A = arith.constant 0 : index
    %swap3A_12 = arith.constant 0 : index
    %swap3A_13 = vector.load %arg2[%swap3A, %swap3A_12] : memref<1250x128xf32, #tpu.memory_space<vmem>>, vector<1250x128xf32>
    tpu.vector_store %arg2[%swap3A, %swap3A_12], %rsqrt3A {strides = array<i32>} : memref<1250x128xf32, #tpu.memory_space<vmem>>, vector<1250x128xf32>,
    %get3A_14 = arith.constant 0 : index
    %get3A_15 = arith.constant 0 : index
    %get3A_16 = vector.load %arg0[%get3A_14, %get3A_15] : memref<1250x128xf32, #tpu.memory_space<vmem>>, vector<1250x128xf32>
    %mul3A = arith.mulf %get3A_16, %rsqrt3A : vector<1250x128xf32>
    %swap3A_17 = arith.constant 0 : index
    %swap3A_18 = arith.constant 0 : index
    %swap3A_19 = vector.load %arg3[%swap3A_17, %swap3A_18] : memref<1250x128xf32, #tpu.memory_space<vmem>>, vector<1250x128xf32>
    tpu.vector_store %arg3[%swap3A_17, %swap3A_18], %mul3A {strides = array<i32>} : memref<1250x128xf32, #tpu.memory_space<vmem>>, vector<1250x128xf32>,
    return
  }
}

module attributes {stable_mosaic.version = 14 : i64} {
  func.func @_mm_body(%arg0: memref<1250x1024xf32, #tpu.memory_space<vmem>>, %arg1: memref<1024x128xf32, #tpu.memory_space<vmem>>, %arg2: memref<1250x128xf32, #tpu.memory_space<vmem>>) attributes {dimension_semantics = [], scalar_prefetch = 0 : i64, scratch_operands = 0 : i64, tpu.core_type = #tpu.core_type<tc>} {
    %get3A = arith.constant 0 : index
    %get3A_0 = arith.constant 0 : index
    %get3A_1 = vector.load %arg0[%get3A, %get3A_0] : memref<1250x1024xf32, #tpu.memory_space<vmem>>, vector<1250x1024xf32>
    %get3A_2 = arith.constant 0 : index
    %get3A_3 = arith.constant 0 : index
    %get3A_4 = vector.load %arg1[%get3A_2, %get3A_3] : memref<1024x128xf32, #tpu.memory_space<vmem>>, vector<1024x128xf32>
    %dot_general3A = arith.constant dense<0.000000e+00> : vector<1250x128xf32>
    %dot_general3A_5 = tpu.matmul %get3A_1, %get3A_4, %dot_general3A {dimension_numbers = #tpu.dot_dimension_numbers<[1], [0], [0], [1], [0, 0, 1, 1], [], []>, transpose_lhs_hint = false} : vector<1250x1024xf32>, vector<1024x128xf32>, vector<1250x128xf32> -> vector<1250x128xf32>
    %swap3A = arith.constant 0 : index
    %swap3A_6 = arith.constant 0 : index
    %swap3A_7 = vector.load %arg2[%swap3A, %swap3A_6] : memref<1250x128xf32, #tpu.memory_space<vmem>>, vector<1250x128xf32>
    tpu.vector_store %arg2[%swap3A, %swap3A_6], %dot_general3A_5 {strides = array<i32>} : memref<1250x128xf32, #tpu.memory_space<vmem>>, vector<1250x128xf32>,
    return
  }
}

module attributes {stable_mosaic.version = 14 : i64} {
  func.func @_final_body(%arg0: memref<2x1264x128xf32, #tpu.memory_space<vmem>>, %arg1: memref<1250x128xf32, #tpu.memory_space<vmem>>, %arg2: memref<1250x128xf32, #tpu.memory_space<vmem>>, %arg3: memref<1x128xf32, #tpu.memory_space<vmem>>, %arg4: memref<1250x128xf32, #tpu.memory_space<vmem>>) attributes {dimension_semantics = [], scalar_prefetch = 0 : i64, scratch_operands = 0 : i64, tpu.core_type = #tpu.core_type<tc>} {
    %get3A = arith.constant 0 : index
    %get3A_0 = arith.constant 0 : index
    %get3A_1 = vector.load %arg2[%get3A, %get3A_0] : memref<1250x128xf32, #tpu.memory_space<vmem>>, vector<1250x128xf32>
    %get3A_2 = arith.constant 0 : index
    %get3A_3 = arith.constant 0 : index
    %get3A_4 = arith.constant 0 : index
    %get3A_5 = vector.load %arg0[%get3A_2, %get3A_3, %get3A_4] : memref<2x1264x128xf32, #tpu.memory_space<vmem>>, vector<1x1250x128xf32>
    %get3A_6 = vector.shape_cast %get3A_5 : vector<1x1250x128xf32> to vector<1250x128xf32>
    %get3A_7 = arith.constant 1 : index
    %get3A_8 = arith.constant 0 : index
    %get3A_9 = arith.constant 0 : index
    %get3A_10 = vector.load %arg0[%get3A_7, %get3A_8, %get3A_9] : memref<2x1264x128xf32, #tpu.memory_space<vmem>>, vector<1x1250x128xf32>
    %get3A_11 = vector.shape_cast %get3A_10 : vector<1x1250x128xf32> to vector<1250x128xf32>
    %add3A = arith.addf %get3A_6, %get3A_11 : vector<1250x128xf32>
    %get3A_12 = arith.constant 0 : index
    %get3A_13 = arith.constant 0 : index
    %get3A_14 = vector.load %arg1[%get3A_12, %get3A_13] : memref<1250x128xf32, #tpu.memory_space<vmem>>, vector<1250x128xf32>
    %add3A_15 = arith.addf %add3A, %get3A_14 : vector<1250x128xf32>
    %mul3A = arith.mulf %get3A_1, %add3A_15 : vector<1250x128xf32>
    %get3A_16 = arith.constant 0 : index
    %get3A_17 = arith.constant 0 : index
    %get3A_18 = vector.load %arg3[%get3A_16, %get3A_17] : memref<1x128xf32, #tpu.memory_space<vmem>>, vector<1x128xf32>
    %add3A_19 = vector.broadcast %get3A_18 : vector<1x128xf32> to vector<1250x128xf32>
    %add3A_20 = arith.addf %mul3A, %add3A_19 : vector<1250x128xf32>
    %swap3A = arith.constant 0 : index
    %swap3A_21 = arith.constant 0 : index
    %swap3A_22 = vector.load %arg4[%swap3A, %swap3A_21] : memref<1250x128xf32, #tpu.memory_space<vmem>>, vector<1250x128xf32>
    tpu.vector_store %arg4[%swap3A, %swap3A_21], %add3A_20 {strides = array<i32>} : memref<1250x128xf32, #tpu.memory_space<vmem>>, vector<1250x128xf32>,
    return
  }
}

module attributes {stable_mosaic.version = 14 : i64} {
  func.func @_layer2_body(%arg0: memref<2x1264x128xf32, #tpu.memory_space<vmem>>, %arg1: memref<1250x128xf32, #tpu.memory_space<vmem>>, %arg2: memref<1250x128xf32, #tpu.memory_space<vmem>>, %arg3: memref<1x128xf32, #tpu.memory_space<vmem>>, %arg4: memref<128x128xf32, #tpu.memory_space<vmem>>, %arg5: memref<1250x128xf32, #tpu.memory_space<vmem>>) attributes {dimension_semantics = [], scalar_prefetch = 0 : i64, scratch_operands = 0 : i64, tpu.core_type = #tpu.core_type<tc>} {
    %get3A = arith.constant 0 : index
    %get3A_0 = arith.constant 0 : index
    %get3A_1 = vector.load %arg2[%get3A, %get3A_0] : memref<1250x128xf32, #tpu.memory_space<vmem>>, vector<1250x128xf32>
    %get3A_2 = arith.constant 0 : index
    %get3A_3 = arith.constant 0 : index
    %get3A_4 = arith.constant 0 : index
    %get3A_5 = vector.load %arg0[%get3A_2, %get3A_3, %get3A_4] : memref<2x1264x128xf32, #tpu.memory_space<vmem>>, vector<1x1250x128xf32>
    %get3A_6 = vector.shape_cast %get3A_5 : vector<1x1250x128xf32> to vector<1250x128xf32>
    %get3A_7 = arith.constant 1 : index
    %get3A_8 = arith.constant 0 : index
    %get3A_9 = arith.constant 0 : index
    %get3A_10 = vector.load %arg0[%get3A_7, %get3A_8, %get3A_9] : memref<2x1264x128xf32, #tpu.memory_space<vmem>>, vector<1x1250x128xf32>
    %get3A_11 = vector.shape_cast %get3A_10 : vector<1x1250x128xf32> to vector<1250x128xf32>
    %add3A = arith.addf %get3A_6, %get3A_11 : vector<1250x128xf32>
    %get3A_12 = arith.constant 0 : index
    %get3A_13 = arith.constant 0 : index
    %get3A_14 = vector.load %arg1[%get3A_12, %get3A_13] : memref<1250x128xf32, #tpu.memory_space<vmem>>, vector<1250x128xf32>
    %add3A_15 = arith.addf %add3A, %get3A_14 : vector<1250x128xf32>
    %mul3A = arith.mulf %get3A_1, %add3A_15 : vector<1250x128xf32>
    %get3A_16 = arith.constant 0 : index
    %get3A_17 = arith.constant 0 : index
    %get3A_18 = vector.load %arg3[%get3A_16, %get3A_17] : memref<1x128xf32, #tpu.memory_space<vmem>>, vector<1x128xf32>
    %add3A_19 = vector.broadcast %get3A_18 : vector<1x128xf32> to vector<1250x128xf32>
    %add3A_20 = arith.addf %mul3A, %add3A_19 : vector<1250x128xf32>
    %max3A = arith.constant 0.000000e+00 : f32
    %max3A_21 = vector.broadcast %max3A : f32 to vector<1250x128xf32>
    %max3A_22 = arith.maximumf %add3A_20, %max3A_21 : vector<1250x128xf32>
    %get3A_23 = arith.constant 0 : index
    %get3A_24 = arith.constant 0 : index
    %get3A_25 = vector.load %arg4[%get3A_23, %get3A_24] : memref<128x128xf32, #tpu.memory_space<vmem>>, vector<128x128xf32>
    %dot_general3A = arith.constant dense<0.000000e+00> : vector<1250x128xf32>
    %dot_general3A_26 = tpu.matmul %max3A_22, %get3A_25, %dot_general3A {dimension_numbers = #tpu.dot_dimension_numbers<[1], [0], [0], [1], [0, 0, 1, 1], [], []>, transpose_lhs_hint = false} : vector<1250x128xf32>, vector<128x128xf32>, vector<1250x128xf32> -> vector<1250x128xf32>
    %get3A_27 = arith.constant 0 : index
    %get3A_28 = arith.constant 0 : index
    %get3A_29 = vector.load %arg2[%get3A_27, %get3A_28] : memref<1250x128xf32, #tpu.memory_space<vmem>>, vector<1250x128xf32>
    %mul3A_30 = arith.mulf %dot_general3A_26, %get3A_29 : vector<1250x128xf32>
    %swap3A = arith.constant 0 : index
    %swap3A_31 = arith.constant 0 : index
    %swap3A_32 = vector.load %arg5[%swap3A, %swap3A_31] : memref<1250x128xf32, #tpu.memory_space<vmem>>, vector<1250x128xf32>
    tpu.vector_store %arg5[%swap3A, %swap3A_31], %mul3A_30 {strides = array<i32>} : memref<1250x128xf32, #tpu.memory_space<vmem>>, vector<1250x128xf32>,
    return
  }
}

</mosaic_0001>

<sc_bundles>
// kernel: kernel.12.cloned.1.call-start
scs
__scs_entry_jumppad:
0x0: {  	(pc) =	sbr.rel $0x88, $3  }
0x1: {  	(tag) =	ssettag $0x0;
	lr =	simm.s32 $0x1  }
0x2: {  	[smem:$0x3F9B] =	sst lr;
	_ =	strace $0xD0000000  }
0x3: {  	_ = 	snop  }
0x4: {  	_ = 	snop  }
0x5: {  	_ = 	snop  }
0x6: {  	_ = 	snop  }
0x7: {  	_ = 	snop  }
__scs_overlays_trampoline_lowered:
0x8: {  	[smem:$0x3FAA] =	sst s0  }
0x9: {  	[smem:$0x3FAB] =	sst s1  }
0xa: {  	[smem:$0x3FAC] =	sst s2  }
0xb: {  	[smem:$0x3FAD] =	sst s3  }
0xc: {  	[smem:$0x3FAE] =	sst s4  }
0xd: {  	[smem:$0x3FAF] =	sst s5  }
0xe: {  	[smem:$0x3FB0] =	sst s6  }
0xf: {  	[smem:$0x3FB1] =	sst s7  }
0x10: {  	[smem:$0x3FB2] =	sst s8  }
0x11: {  	[smem:$0x3FB3] =	sst s9;
	s0 =	simm.s32 @!p0 $0x0  }
0x12: {  	s1 =	sld [smem:$0x3F99];
	s0 =	simm.s32 @p0 $0x1  }
0x13: {  	[smem:$0x3FB4] =	sst s0;
	s0 =	simm.s32 @!p1 $0x0  }
0x14: {  	s2 =	sld [smem:$0x3F98];
	s0 =	simm.s32 @p1 $0x1  }
0x15: {  	[smem:$0x3FB5] =	sst s0;
	s0 =	simm.s32 @!p2 $0x0  }
0x16: {  	s3 =	sld [smem:$0x3FDB];
	s0 =	simm.s32 @p2 $0x1  }
0x17: {  	s4 =	simm.s32 $0x1BF5;
	[smem:$0x3FB7] =	sst s0  }
0x18: {  	s0 =	sld [smem:$0x3F9A];
	_ =	swait.ge [sflag:s4], $0x0  }
0x19: {  	s7 =	sld [smem:$0x3F9B]  }
0x1a: {  	s8 =	sadd.s32 $0xFFFFE003, lr  }
0x1b: {  	s9 =	sadd.s32 $0xFFFFFEF7, lr;
	s5 =	simm.s32 $0xFFFFFFFF;
	p2 =	slt.u32 s8, $0xFFFFF086  }
0x1c: {  	p1 =	slt.u32 s9, $0xF7A;
	s5 =	simm.s32 @!p2 $0x0  }
0x1d: {  	s5 =	simm.s32 @p1 $0x1;
	p0 =	seq.s32 s7, s2  }
0x1e: {  	s7 =	smul.u32 @!p0 $0xF7A, s2;
	p2 =	seq.s32 @!p0 s5, $0x0  }
0x1f: {  	s9 =	smul.u32 $0xF7A, s1;
	s8 =	simm.s32 @!p0 $0x1BF5;
	p2 =	por !p2, p0  }
0x20: {  	[sflag:s8] =	ssyncset.s32 @!p0 $0xFFFFF086;
	s6 =	sadd.s32 @!p0 s3, s7;
	s7 =	simm.s32 @!p0 $0x108  }
0x21: {  	s3 =	sadd.s32 s3, s9;
	s6 =	sadd.s32 @!p0 $0x88, s6;
	s7 =	simm.s32 @p2 $0x1082  }
0x22: {  	[simem:s7], [sflag:s8] =	dma.local @!p0 [hbm:s6], $0xF7A  }
0x23: {  	s9 =	sor.u32 $0xD0000000, s2;
	s6 =	simm.s32 $0x108;
	_ =	swait.ge @!p0 [sflag:s8], $0x0  }
0x24: {  	s3 =	sadd.s32 $0x88, s3;
	s6 =	simm.s32 @!p1 $0x1082;
	[sflag:s4] =	ssyncset.s32 $0xFFFFF086  }
0x25: {  	[simem:s6], [sflag:s4] =	dma.local [hbm:s3], $0xF7A  }
0x26: {  	[smem:$0x3F9B] =	sst s1;
	(tag) =	ssettag s2;
	_ =	strace s9  }
0x27: {  	s1 =	sld [smem:$0x3FAB]  }
0x28: {  	s2 =	sld [smem:$0x3FAC]  }
0x29: {  	s4 =	sld [smem:$0x3FAE]  }
0x2a: {  	p0 =	seq.s32 s5, $0x0;
	s5 =	sld [smem:$0x3FAF]  }
0x2b: {  	s6 =	sld [smem:$0x3FB0]  }
0x2c: {  	s7 =	sld [smem:$0x3FB1]  }
0x2d: {  	s3 =	simm.s32 $0x108;
	s8 =	sld [smem:$0x3FB2]  }
0x2e: {  	s3 =	simm.s32 @!p0 $0x1082;
	s9 =	sld [smem:$0x3FB3]  }
0x2f: {  	lr =	sadd.s32 s0, s3;
	s0 =	sld [smem:$0x3FAA]  }
0x30: {  	s3 =	sld [smem:$0x3FAD]  }
0x31: {  	[smem:$0x3FB6] =	sst s10  }
0x32: {  	s10 =	sld [smem:$0x3FB4];
	_ =	sdelay $0x3  }
0x33: {  	p0 =	seq.s32 s10, $0x1;
	s10 =	sld [smem:$0x3FB6];
	_ =	sdelay $0x3  }
0x34: {  	[smem:$0x3FB6] =	sst s10  }
0x35: {  	s10 =	sld [smem:$0x3FB5];
	_ =	sdelay $0x3  }
0x36: {  	p1 =	seq.s32 s10, $0x1;
	s10 =	sld [smem:$0x3FB6];
	_ =	sdelay $0x3  }
0x37: {  	[smem:$0x3FB6] =	sst s10  }
0x38: {  	s10 =	sld [smem:$0x3FB7]  }
0x39: {  	_ = 	snop;
	(pc) =	sbr.ind lr, $3  }
0x3a: {  	_ = 	snop  }
0x3b: {  	_ = 	snop  }
0x3c: {  	p2 =	seq.s32 s10, $0x1;
	s10 =	sld [smem:$0x3FB6]  }
0x3d: {  	_ =	shalt  }
0x3e: {  	_ =	shalt  }
0x3f: {  	_ =	shalt  }
0x40: {  	_ =	shalt  }
0x41: {  	_ =	shalt  }
0x42: {  	_ =	shalt  }
0x43: {  	_ =	shalt  }
0x44: {  	_ =	shalt  }
0x45: {  	_ =	shalt  }
0x46: {  	_ =	shalt  }
0x47: {  	_ =	shalt  }
0x48: {  	_ =	shalt  }
0x49: {  	_ =	shalt  }
0x4a: {  	_ =	shalt  }
0x4b: {  	_ =	shalt  }
0x4c: {  	_ =	shalt  }
0x4d: {  	_ =	shalt  }
0x4e: {  	_ =	shalt  }
0x4f: {  	_ =	shalt  }
0x50: {  	_ =	shalt  }
0x51: {  	_ =	shalt  }
0x52: {  	_ =	shalt  }
0x53: {  	_ =	shalt  }
0x54: {  	_ =	shalt  }
0x55: {  	_ =	shalt  }
0x56: {  	_ =	shalt  }
0x57: {  	_ =	shalt  }
0x58: {  	_ =	shalt  }
0x59: {  	_ =	shalt  }
0x5a: {  	_ =	shalt  }
0x5b: {  	_ =	shalt  }
0x5c: {  	_ =	shalt  }
0x5d: {  	_ =	shalt  }
0x5e: {  	_ =	shalt  }
0x5f: {  	_ =	shalt  }
0x60: {  	_ =	shalt  }
0x61: {  	_ =	shalt  }
0x62: {  	_ =	shalt  }
0x63: {  	_ =	shalt  }
0x64: {  	_ =	shalt  }
0x65: {  	_ =	shalt  }
0x66: {  	_ =	shalt  }
0x67: {  	_ =	shalt  }
0x68: {  	_ =	shalt  }
0x69: {  	_ =	shalt  }
0x6a: {  	_ =	shalt  }
0x6b: {  	_ =	shalt  }
0x6c: {  	_ =	shalt  }
0x6d: {  	_ =	shalt  }
0x6e: {  	_ =	shalt  }
0x6f: {  	_ =	shalt  }
0x70: {  	_ =	shalt  }
0x71: {  	_ =	shalt  }
0x72: {  	_ =	shalt  }
0x73: {  	_ =	shalt  }
0x74: {  	_ =	shalt  }
0x75: {  	_ =	shalt  }
0x76: {  	_ =	shalt  }
0x77: {  	_ =	shalt  }
0x78: {  	_ =	shalt  }
0x79: {  	_ =	shalt  }
0x7a: {  	_ =	shalt  }
0x7b: {  	_ =	shalt  }
0x7c: {  	_ =	shalt  }
0x7d: {  	_ =	shalt  }
0x7e: {  	_ =	shalt  }
0x7f: {  	_ =	shalt  }
0x80: {  	_ =	shalt  }
0x81: {  	_ =	shalt  }
0x82: {  	_ =	shalt  }
0x83: {  	_ =	shalt  }
0x84: {  	_ =	shalt  }
0x85: {  	_ =	shalt  }
0x86: {  	_ =	shalt  }
0x87: {  	_ =	shalt  }
.Lfunc_end0:
.L_simem_size_0:
called_computation.1_lowered:
.L_overlay_start_0:
0x88: {  	s2 =	sld [smem:$0x3FD9]  }
0x89: {  	s3 =	sld [smem:$0x3FFE];
	_ =	sdelay $0x1  }
0x8a: {  	s1 =	srdreg.scid  }
0x8b: {  	s0 =	sand.u32 $0x1, s1  }
0x8c: {  	s17 =	sshll.u32 s0, $0xA;
	s2 =	sadd.s32 s3, s2  }
0x8d: {  	s2 =	sadd.s32 s2, s17  }
0x8e: {  	[smem:$0x3FC2] =	sst s2  }
0x8f: {  	_ = 	snop  }
0x90: {  	s2 =	sld [smem:$0x3FD0];
	(tm) =	ssettm $0x1  }
0x91: {  	s18 =	sld [smem:$0x3FFB];
	_ =	sdelay $0x3  }
0x92: {  	_ =	strace s18  }
0x93: {  	s3 =	sld [smem:$0x3FFC];
	_ =	sdelay $0x3  }
0x94: {  	_ =	strace s3  }
0x95: {  	s3 =	sld [smem:$0x3FFD];
	_ =	sdelay $0x3  }
0x96: {  	_ =	strace s3  }
0x97: {  	_ =	strace $0x8FFFFFFF  }
0x98: {  	s19 =	sld [smem:$0x3FDB];
	_ =	sdelay $0x1  }
0x99: {  	s4 =	simm.s32 $_scs_section_size  }
0x9a: {  	s5 =	simm.s32 $_size__tile_overlayer_lowered;
	s6 =	simm.s32 $_tile_overlayer_lowered  }
0x9b: {  	s22 =	simm.s32 $0x1BFF;
	s21 =	sshll.u32 s6, $0x1;
	s3 =	sadd.s32 s4, s19  }
0x9c: {  	s7 =	simm.s32 $0x0;
	s20 =	sshll.u32 s5, $0x1;
	s5 =	sadd.s32 s21, s3  }
0x9d: {  	[timem:s7], [sflag:s22] =	dma.local [hbm:s5], s20  }
0x9e: {  	_ =	swait.ge [sflag:s22], s20  }
0x9f: {  	s4 =	ssub.s32 $0x0, s20;
	[sflag:s22] =	ssyncset.done $0x0  }
0xa0: {  	[sflag:s22] =	ssyncadd.s32 s4;
	_ =	sdelay $0x1  }
0xa1: {  	s23 =	simm.s32 $0x1B8B  }
0xa2: {  	_ =	swait.ge [sflag:s23], $0x1  }
0xa3: {  	[sflag:s23] =	ssyncset.done $0x0  }
0xa4: {  	s25 =	simm.s32 $0x1B8E;
	s24 =	sld [smem:$0x3FFE];
	[sflag:s23] =	ssyncadd.s32 $0xFFFFFFFF  }
0xa5: {  	s26 =	simm.s32 $execute0_lowered;
	[smem:$0x3FD2] =	sst s25  }
0xa6: {  	s5 =	sshll.u32 s26, $0x1;
	_ =	strace $0x80000049;
	[dreg:$0x1] =	wrdreg $0xFFFFFFFF  }
0xa7: {  	s28 =	simm.s32 $_size_execute0_lowered;
	s3 =	sadd.s32 s3, s5;
	[dreg:$0x0] =	wrdreg $0x0  }
0xa8: {  	s5 =	sshll.u32 s28, $0x1;
	[dreg:$0x2] =	wrdreg s3  }
0xa9: {  	[dreg:$0x3] =	wrdreg s5  }
0xaa: {  	[dreg:$0x4] =	wrdreg $0xC0  }
0xab: {  	_ =	task [dreg:s7], $0x5FFFF  }
0xac: {  	[dreg:$0x1] =	wrdreg $0xFFFFFFFF  }
0xad: {  	[dreg:$0x0] =	wrdreg $0x60  }
0xae: {  	[dreg:$0x2] =	wrdreg s2  }
0xaf: {  	[dreg:$0x3] =	wrdreg s24  }
0xb0: {  	[dreg:$0x4] =	wrdreg $0x196B00  }
0xb1: {  	[dreg:$0x5] =	wrdreg $0x16FA00  }
0xb2: {  	[dreg:$0x6] =	wrdreg $0x9  }
0xb3: {  	_ =	task.clear_ibuf [dreg:s7], $0x7FFFF;
	_ =	strace $0x90000049  }
0xb4: {  	s29 =	simm.s32 $0x9;
	_ =	strace $0x8000004B  }
0xb5: {  	_ =	swait.ge [sflag:s29], $0x1  }
0xb6: {  	[sflag:s29] =	ssyncadd.s32 $0xFFFFFFFF  }
0xb7: {  	_ =	strace $0x9000004B  }
0xb8: {  	_ =	sfence  }
0xb9: {  	s30 =	sld [smem:$0x0];
	_ =	sdelay $0x2  }
0xba: {  	s31 =	sshll.u32 s1, $0xD;
	s1 =	sshrl.u32 s1, $0x2  }
0xbb: {  	s3 =	sand.u32 $0x4000, s31;
	s1 =	sadd.s32 s1, s30  }
0xbc: {  	s0 =	sor.u32 s3, s0;
	s1 =	sshll.u32 s1, $0x11  }
0xbd: {  	s0 =	sor.u32 s1, s0  }
0xbe: {  	s0 =	sadd.s32 $0x8F2B, s0  }
0xbf: {  	[sflag:s0] =	ssyncadd.remote.s32 $0x1  }
0xc0: {  	_ =	sfence.sel $0xFFFF  }
0xc1: {  	[dreg:$0x0] =	wrdreg $0xFFFFFFFF;
	(pc) =	sbr.abs _section_cstart, $3  }
0xc2: {  	[dreg:$0x1] =	wrdreg $0xFFFFFFFF  }
0xc3: {  	_ =	task.clear_ibuf [dreg:s7], $0x2FFFF;
	_ =	strace $0x9FFFFFFF  }
0xc4: {  	(tm) =	ssettm $0x7FFFFFFF  }
0xc5: {  	_ =	shalt  }
tec
execute0_lowered:
.L_overlay_start_1:
0x0: {  	(tag) =	ssettag $0x1  }
0x1: {  	s0 =	rddreg [dreg:$0x0]  }
0x2: {  	s1 =	rddreg [dreg:$0x1]  }
0x3: {  	s2 =	rddreg [dreg:$0x2]  }
0x4: {  	s3 =	rddreg [dreg:$0x3]  }
0x5: {  	s4 =	srdreg.scid;
	s15 =	stileid.u32  }
0x6: {  	s13 =	simm.s32 $0x2;
	s17 =	simm.s32 $0x2710;
	s18 =	simm.s32 $0x3E8  }
0x7: {  	s19 =	simm.s32 $0x4E20;
	s20 =	simm.s32 $0x8CA0;
	s21 =	simm.s32 $0x1  }
0x8: {  	s23 =	simm.s32 $0xCB20;
	s25 =	simm.s32 $0x109A0;
	s22 =	simm.s32 $0x3A98  }
0x9: {  	s24 =	simm.s32 $0x1F40;
	s28 =	simm.s32 $0x3E80;
	s29 =	simm.s32 $0x4268  }
0xa: {  	s30 =	simm.s32 $0x4650;
	s31 =	simm.s32 $0x4A38;
	s5 =	sand.u32 $0x1, s4  }
0xb: {  	s6 =	sshll.u32 s15, $0x1;
	s7 =	smul.u32 $0x2780, s15;
	s4 =	simm.s32 $0x0  }
0xc: {  	s14 =	sadd.s32 $0x25080, s3;
	p0 =	seq.s32 s15, $0xF;
	s6 =	sor.u32 s5, s6  }
0xd: {  	s8 =	smul.u32 $0x27800, s5;
	[smem:$0x7FF] =	sst s4;
	s5 =	ssub.s32 $0x2, s5  }
0xe: {  	s14 =	sshrl.u32 @p0 s14, $0x3;
	s6 =	smul.u32 $0x2710, s6;
	_ =	strace $0x8000004A  }
0xf: {  	s9 =	sshrl.u32 s5, $0x1;
	s12 =	sadd.s32 s7, s3;
	s26 =	sshrl.u32 s7, $0x3  }
0x10: {  	s8 =	sadd.s32 s7, s8;
	s11 =	ssub.s32 s5, s9;
	s5 =	sadd.s32 s7, s2  }
0x11: {  	s7 =	sadd.s32 $0x4A10, s0;
	s16 =	sshrl.u32 @!p0 s12, $0x3;
	s6 =	sshrl.u32 s6, $0x3  }
0x12: {  	s8 =	sshrl.u32 s8, $0x3;
	s11 =	smax.u32 s11, $0x1;
	s10 =	sadd.s32 s6, s1  }
0x13: {  	s1 =	sadd.s32 s8, s1;
	s6 =	sadd.s32 s0, s26;
	s0 =	sshll.u32 @!p0 s15, $0x6  }
0x14: {  	s26 =	simm.s32 $0x2328;
	s8 =	sadd.s32 $0x2800, s10;
	s9 =	sadd.s32 $0xC440, s10  }
0x15: {  	v0 =	vimm.f32 $0.0e+00;
	s10 =	sadd.s32 $0x16200, s1;
	s15 =	sor.u32 @!p0 $0x1C02, s0;
	s0 =	simm.s32 $0x0  }
.LBB2_1:
0x16: {  	s1 =	simm.s32 $0x14860  }
0x17: {  	[tilespmem:s1+$0xFFFFFFC0] =	vst v0  }
0x18: {  	[tilespmem:s1+$0x30] =	vst v0  }
0x19: {  	[tilespmem:s1+$0x20] =	vst v0  }
0x1a: {  	[tilespmem:s1+$0x10] =	vst v0  }
0x1b: {  	[tilespmem:s1+$0x0] =	vst v0  }
0x1c: {  	[tilespmem:s1+$0xFFFFFFF0] =	vst v0  }
0x1d: {  	s12 =	simm.s32 $0x0;
	[tilespmem:s1+$0xFFFFFFE0] =	vst v0  }
.LBB2_2:
0x1e: {  	s12 =	sadd.s32 $0x8, s12;
	[tilespmem:s1+$0xFFFFFFD0] =	vst v0;
	s1 =	sadd.s32 $0x80, s1  }
0x1f: {  	[tilespmem:s1+$0xFFFFFFC0] =	vst v0;
	p1 =	slt.u32 s12, $0x270  }
0x20: {  	[tilespmem:s1+$0x30] =	vst v0  }
.Ltmp0:
0x21: {  	[tilespmem:s1+$0x20] =	vst v0;
	(pc) =	sbr.rel @p1 .LBB2_2-.Ltmp0, $4  }
0x22: {  	[tilespmem:s1+$0x10] =	vst v0  }
0x23: {  	[tilespmem:s1+$0x0] =	vst v0  }
0x24: {  	[tilespmem:s1+$0xFFFFFFF0] =	vst v0  }
0x25: {  	[tilespmem:s1+$0xFFFFFFE0] =	vst v0  }
0x26: {  	[tilespmem:s1+$0xFFFFFFD0] =	vst v0;
	s12 =	simm.s32 $0x14820  }
0x27: {  	[spmem:s5] =	stream.linear.scatter [tilespmem:s12], [sflag:$0x2], $0x2780, $0x38;
	[tilespmem:$0x1BE30] =	vst v63  }
0x28: {  	_ =	swait.ge [sflag:s13], $0x2780  }
0x29: {  	[sflag:s13] =	ssyncset.done $0x0  }
0x2a: {  	s1 =	simm.s32 @p0 $0x1FC2;
	[sflag:s13] =	ssyncadd.s32 $0xFFFFD880  }
0x2b: {  	[spmem:s14], [sflag:s1] =	dma.local @p0 [hbm:s7], $0x410  }
0x2c: {  	s1 =	simm.s32 @p0 $0x2  }
0x2d: {  	_ =	swait.ge @p0 [sflag:s1], $0x410  }
0x2e: {  	[sflag:s1] =	ssyncset.done @p0 $0x0  }
0x2f: {  	[sflag:s1] =	ssyncadd.s32 @p0 $0xFFFFFBF0;
	s1 =	simm.s32 @!p0 $0x2  }
0x30: {  	[spmem:s16], [sflag:s15] =	dma.local @!p0 [hbm:s6], $0x4F0  }
0x31: {  	_ =	swait.ge @!p0 [sflag:s1], $0x4F0  }
0x32: {  	[sflag:s1] =	ssyncset.done @!p0 $0x0  }
0x33: {  	[sflag:s1] =	ssyncadd.s32 @!p0 $0xFFFFFB10  }
0x34: {  	[tilespmem:s4], [sflag:$0x2] =	stream.linear.gather [hbm4b:s8+s4], $0x2710, $0x38;
	[tilespmem:$0x1BE30] =	vst v63  }
0x35: {  	_ =	swait.ge [sflag:s13], $0x2710  }
0x36: {  	[sflag:s13] =	ssyncset.done $0x0  }
0x37: {  	[sflag:s13] =	ssyncadd.s32 $0xFFFFD8F0  }
0x38: {  	[tilespmem:s17], [sflag:$0x2] =	stream.linear.gather [hbm4b:s9+s4], $0x2710, $0x38;
	[tilespmem:$0x1BE30] =	vst v63  }
0x39: {  	_ =	swait.ge [sflag:s13], $0x2710  }
0x3a: {  	[sflag:s13] =	ssyncset.done $0x0  }
0x3b: {  	[sflag:s13] =	ssyncadd.s32 $0xFFFFD8F0  }
0x3c: {  	[bflag:$0x0] =	sbarrier.arrive $0xFFFF  }
0x3d: {  	[tilespmem:s19], [sflag:$0x1] =	stream.indirect.gather [spmem:s3], $0x10, s4, s18, $0xb8;
	[tilespmem:$0x1BE30] =	vst v63  }
0x3e: {  	_ = 	snop  }
0x3f: {  	[tilespmem:s20], [sflag:$0x1] =	stream.indirect.gather [spmem:s3], $0x10, s18, s18, $0xb8;
	[tilespmem:$0x1BE30] =	vst v63  }
0x40: {  	_ =	swait.ge [sflag:s21], $0x3E80  }
0x41: {  	[sflag:s21] =	ssyncset.done $0x0  }
0x42: {  	[sflag:s21] =	ssyncadd.s32 $0xFFFFC180  }
0x43: {  	_ =	swait.ge [sflag:s21], $0x3E80  }
0x44: {  	[sflag:s21] =	ssyncset.done $0x0  }
0x45: {  	s12 =	simm.s32 $0x7D0;
	[sflag:s21] =	ssyncadd.s32 $0xFFFFC180  }
0x46: {  	[tilespmem:s23], [sflag:$0x1] =	stream.indirect.gather [spmem:s3], $0x10, s12, s18, $0xb8;
	[tilespmem:$0x1BE30] =	vst v63  }
0x47: {  	s12 =	simm.s32 $0xBB8  }
0x48: {  	[tilespmem:s25], [sflag:$0x1] =	stream.indirect.gather [spmem:s3], $0x10, s12, s18, $0xb8;
	[tilespmem:$0x1BE30] =	vst v63  }
0x49: {  	_ = 	snop  }
0x4a: {  	[spmem:s2] =	stream.indirect.scatter.add.f32 [tilespmem:s19], [sflag:$0x2], $0x10, s17, s18, $0xb8;
	[tilespmem:$0x1BE30] =	vst v63  }
0x4b: {  	_ =	swait.ge [sflag:s13], $0x3E80  }
0x4c: {  	[sflag:s13] =	ssyncset.done $0x0  }
0x4d: {  	s12 =	simm.s32 $0x2AF8;
	[sflag:s13] =	ssyncadd.s32 $0xFFFFC180  }
0x4e: {  	[spmem:s2] =	stream.indirect.scatter.add.f32 [tilespmem:s20], [sflag:$0x2], $0x10, s12, s18, $0xb8;
	[tilespmem:$0x1BE30] =	vst v63  }
0x4f: {  	_ =	swait.ge [sflag:s13], $0x3E80  }
0x50: {  	[sflag:s13] =	ssyncset.done $0x0  }
0x51: {  	[sflag:s13] =	ssyncadd.s32 $0xFFFFC180  }
0x52: {  	_ =	swait.ge [sflag:s21], $0x3E80  }
0x53: {  	[sflag:s21] =	ssyncset.done $0x0  }
0x54: {  	[sflag:s21] =	ssyncadd.s32 $0xFFFFC180  }
0x55: {  	_ =	swait.ge [sflag:s21], $0x3E80  }
0x56: {  	[sflag:s21] =	ssyncset.done $0x0  }
0x57: {  	s12 =	simm.s32 $0xFA0;
	[sflag:s21] =	ssyncadd.s32 $0xFFFFC180  }
0x58: {  	[tilespmem:s19], [sflag:$0x1] =	stream.indirect.gather [spmem:s3], $0x10, s12, s18, $0xb8;
	[tilespmem:$0x1BE30] =	vst v63  }
0x59: {  	s12 =	simm.s32 $0x1388  }
0x5a: {  	[tilespmem:s20], [sflag:$0x1] =	stream.indirect.gather [spmem:s3], $0x10, s12, s18, $0xb8;
	[tilespmem:$0x1BE30] =	vst v63  }
0x5b: {  	s12 =	simm.s32 $0x2EE0  }
0x5c: {  	[spmem:s2] =	stream.indirect.scatter.add.f32 [tilespmem:s23], [sflag:$0x2], $0x10, s12, s18, $0xb8;
	[tilespmem:$0x1BE30] =	vst v63  }
0x5d: {  	_ =	swait.ge [sflag:s13], $0x3E80  }
0x5e: {  	[sflag:s13] =	ssyncset.done $0x0  }
0x5f: {  	s12 =	simm.s32 $0x32C8;
	[sflag:s13] =	ssyncadd.s32 $0xFFFFC180  }
0x60: {  	[spmem:s2] =	stream.indirect.scatter.add.f32 [tilespmem:s25], [sflag:$0x2], $0x10, s12, s18, $0xb8;
	[tilespmem:$0x1BE30] =	vst v63  }
0x61: {  	_ =	swait.ge [sflag:s13], $0x3E80  }
0x62: {  	[sflag:s13] =	ssyncset.done $0x0  }
0x63: {  	[sflag:s13] =	ssyncadd.s32 $0xFFFFC180  }
0x64: {  	_ =	swait.ge [sflag:s21], $0x3E80  }
0x65: {  	[sflag:s21] =	ssyncset.done $0x0  }
0x66: {  	[sflag:s21] =	ssyncadd.s32 $0xFFFFC180  }
0x67: {  	_ =	swait.ge [sflag:s21], $0x3E80  }
0x68: {  	[sflag:s21] =	ssyncset.done $0x0  }
0x69: {  	s12 =	simm.s32 $0x1770;
	[sflag:s21] =	ssyncadd.s32 $0xFFFFC180  }
0x6a: {  	[tilespmem:s23], [sflag:$0x1] =	stream.indirect.gather [spmem:s3], $0x10, s12, s18, $0xb8;
	[tilespmem:$0x1BE30] =	vst v63  }
0x6b: {  	s12 =	simm.s32 $0x1B58  }
0x6c: {  	[tilespmem:s25], [sflag:$0x1] =	stream.indirect.gather [spmem:s3], $0x10, s12, s18, $0xb8;
	[tilespmem:$0x1BE30] =	vst v63  }
0x6d: {  	s12 =	simm.s32 $0x36B0  }
0x6e: {  	[spmem:s2] =	stream.indirect.scatter.add.f32 [tilespmem:s19], [sflag:$0x2], $0x10, s12, s18, $0xb8;
	[tilespmem:$0x1BE30] =	vst v63  }
0x6f: {  	_ =	swait.ge [sflag:s13], $0x3E80  }
0x70: {  	[sflag:s13] =	ssyncset.done $0x0  }
0x71: {  	[sflag:s13] =	ssyncadd.s32 $0xFFFFC180  }
0x72: {  	[spmem:s2] =	stream.indirect.scatter.add.f32 [tilespmem:s20], [sflag:$0x2], $0x10, s22, s18, $0xb8;
	[tilespmem:$0x1BE30] =	vst v63  }
0x73: {  	_ =	swait.ge [sflag:s13], $0x3E80  }
0x74: {  	[sflag:s13] =	ssyncset.done $0x0  }
0x75: {  	[sflag:s13] =	ssyncadd.s32 $0xFFFFC180  }
0x76: {  	_ =	swait.ge [sflag:s21], $0x3E80  }
0x77: {  	[sflag:s21] =	ssyncset.done $0x0  }
0x78: {  	[sflag:s21] =	ssyncadd.s32 $0xFFFFC180  }
0x79: {  	_ =	swait.ge [sflag:s21], $0x3E80  }
0x7a: {  	[sflag:s21] =	ssyncset.done $0x0  }
0x7b: {  	[sflag:s21] =	ssyncadd.s32 $0xFFFFC180  }
0x7c: {  	[tilespmem:s19], [sflag:$0x1] =	stream.indirect.gather [spmem:s3], $0x10, s24, s18, $0xb8;
	[tilespmem:$0x1BE30] =	vst v63  }
0x7d: {  	_ = 	snop  }
0x7e: {  	[tilespmem:s20], [sflag:$0x1] =	stream.indirect.gather [spmem:s3], $0x10, s26, s18, $0xb8;
	[tilespmem:$0x1BE30] =	vst v63  }
0x7f: {  	_ = 	snop  }
0x80: {  	[spmem:s2] =	stream.indirect.scatter.add.f32 [tilespmem:s23], [sflag:$0x2], $0x10, s28, s18, $0xb8;
	[tilespmem:$0x1BE30] =	vst v63  }
0x81: {  	_ =	swait.ge [sflag:s13], $0x3E80  }
0x82: {  	[sflag:s13] =	ssyncset.done $0x0  }
0x83: {  	[sflag:s13] =	ssyncadd.s32 $0xFFFFC180  }
0x84: {  	[spmem:s2] =	stream.indirect.scatter.add.f32 [tilespmem:s25], [sflag:$0x2], $0x10, s29, s18, $0xb8;
	[tilespmem:$0x1BE30] =	vst v63  }
0x85: {  	_ =	swait.ge [sflag:s13], $0x3E80  }
0x86: {  	[sflag:s13] =	ssyncset.done $0x0  }
0x87: {  	[sflag:s13] =	ssyncadd.s32 $0xFFFFC180  }
0x88: {  	_ =	swait.ge [sflag:s21], $0x3E80  }
0x89: {  	[sflag:s21] =	ssyncset.done $0x0  }
0x8a: {  	[sflag:s21] =	ssyncadd.s32 $0xFFFFC180  }
0x8b: {  	_ =	swait.ge [sflag:s21], $0x3E80  }
0x8c: {  	[sflag:s21] =	ssyncset.done $0x0  }
0x8d: {  	[sflag:s21] =	ssyncadd.s32 $0xFFFFC180  }
0x8e: {  	[spmem:s2] =	stream.indirect.scatter.add.f32 [tilespmem:s19], [sflag:$0x2], $0x10, s30, s18, $0xb8;
	[tilespmem:$0x1BE30] =	vst v63  }
0x8f: {  	_ =	swait.ge [sflag:s13], $0x3E80  }
0x90: {  	[sflag:s13] =	ssyncset.done $0x0  }
0x91: {  	[sflag:s13] =	ssyncadd.s32 $0xFFFFC180  }
0x92: {  	[spmem:s2] =	stream.indirect.scatter.add.f32 [tilespmem:s20], [sflag:$0x2], $0x10, s31, s18, $0xb8;
	[tilespmem:$0x1BE30] =	vst v63  }
0x93: {  	s0 =	sadd.s32 $0x1, s0;
	_ =	swait.ge [sflag:s13], $0x3E80  }
0x94: {  	p1 =	sne.s32 s0, s11;
	s12 =	stileid.u32;
	[sflag:s13] =	ssyncset.done $0x0  }
0x95: {  	s1 =	sshll.u32 s12, $0x6;
	s12 =	sshrl.u32 s5, $0x3;
	[sflag:s13] =	ssyncadd.s32 $0xFFFFC180  }
.Ltmp1:
0x96: {  	s1 =	sor.u32 $0x1C02, s1;
	[bflag:$0x0] =	sbarrier.arrive $0xFFFF;
	(pc) =	sbr.rel @p1 .LBB2_1-.Ltmp1, $4  }
0x97: {  	[hbm:s10], [sflag:s1] =	dma.local [spmem:s12], $0x4F0  }
0x98: {  	_ =	swait.ge [sflag:s13], $0x4F0  }
0x99: {  	[sflag:s13] =	ssyncset.done $0x0  }
0x9a: {  	[sflag:s13] =	ssyncadd.s32 $0xFFFFFB10  }
0x9b: {  	_ =	sfence.sel $0x180000  }
0x9c: {  	[bflag:$0x0] =	sbarrier.arrive $0xFFFF  }
0x9d: {  	_ =	strace $0x9000004A  }
0x9e: {  	s0 =	stileid.u32;
	[bflag:$0x2] =	sbarrier.arrive $0xFFFF  }
0x9f: {  	p0 =	sne.s32 s0, $0x0;
	s0 =	rddreg [dreg:$0x4]  }
0xa0: {  	s0 =	sadd.s32 @!p0 $0x100000, s0  }
0xa1: {  	[sflag:s0] =	ssyncadd.tile.s32 @!p0 $0x1;
	_ =	shalt  }
.Lfunc_end2:
_tile_overlayer_lowered:
.L_overlay_start_2:
0xa2: {  	(tag) =	ssettag $0x2  }
0xa3: {  	s0 =	rddreg [dreg:$0x0];
	s2 =	stileid.u32  }
0xa4: {  	s1 =	rddreg [dreg:$0x1];
	p0 =	sne.s32 s2, $0x0  }
0xa5: {  	s3 =	rddreg [dreg:$0x2];
	[bflag:$0x3] =	sbarrier.arrive $0xFFFF;
	s2 =	simm.s32 @!p0 $0x1C02  }
0xa6: {  	[timem:s3], [sflag:s2] =	dma.local @!p0 [hbm:s0], s1  }
0xa7: {  	s0 =	simm.s32 @!p0 $0x2  }
0xa8: {  	_ =	swait.ge @!p0 [sflag:s0], s1  }
0xa9: {  	s1 =	ssub.s32 @!p0 $0x0, s1;
	[sflag:s0] =	ssyncset.done @!p0 $0x0  }
0xaa: {  	[sflag:s0] =	ssyncadd.s32 @!p0 s1  }
0xab: {  	[bflag:$0x3] =	sbarrier.arrive $0xFFFF  }
0xac: {  	_ =	shalt  }

// kernel: kernel.15.cloned.1.call-start
scs
__scs_entry_jumppad:
0x0: {  	(pc) =	sbr.rel $0x88, $3  }
0x1: {  	(tag) =	ssettag $0x0;
	lr =	simm.s32 $0x1  }
0x2: {  	[smem:$0x3F9B] =	sst lr;
	_ =	strace $0xD0000000  }
0x3: {  	_ = 	snop  }
0x4: {  	_ = 	snop  }
0x5: {  	_ = 	snop  }
0x6: {  	_ = 	snop  }
0x7: {  	_ = 	snop  }
__scs_overlays_trampoline_lowered:
0x8: {  	[smem:$0x3FAA] =	sst s0  }
0x9: {  	[smem:$0x3FAB] =	sst s1  }
0xa: {  	[smem:$0x3FAC] =	sst s2  }
0xb: {  	[smem:$0x3FAD] =	sst s3  }
0xc: {  	[smem:$0x3FAE] =	sst s4  }
0xd: {  	[smem:$0x3FAF] =	sst s5  }
0xe: {  	[smem:$0x3FB0] =	sst s6  }
0xf: {  	[smem:$0x3FB1] =	sst s7  }
0x10: {  	[smem:$0x3FB2] =	sst s8  }
0x11: {  	[smem:$0x3FB3] =	sst s9;
	s0 =	simm.s32 @!p0 $0x0  }
0x12: {  	s1 =	sld [smem:$0x3F99];
	s0 =	simm.s32 @p0 $0x1  }
0x13: {  	[smem:$0x3FB4] =	sst s0;
	s0 =	simm.s32 @!p1 $0x0  }
0x14: {  	s2 =	sld [smem:$0x3F98];
	s0 =	simm.s32 @p1 $0x1  }
0x15: {  	[smem:$0x3FB5] =	sst s0;
	s0 =	simm.s32 @!p2 $0x0  }
0x16: {  	s3 =	sld [smem:$0x3FDB];
	s0 =	simm.s32 @p2 $0x1  }
0x17: {  	s4 =	simm.s32 $0x1BF5;
	[smem:$0x3FB7] =	sst s0  }
0x18: {  	s0 =	sld [smem:$0x3F9A];
	_ =	swait.ge [sflag:s4], $0x0  }
0x19: {  	s7 =	sld [smem:$0x3F9B]  }
0x1a: {  	s8 =	sadd.s32 $0xFFFFE003, lr  }
0x1b: {  	s9 =	sadd.s32 $0xFFFFFEF7, lr;
	s5 =	simm.s32 $0xFFFFFFFF;
	p2 =	slt.u32 s8, $0xFFFFF086  }
0x1c: {  	p1 =	slt.u32 s9, $0xF7A;
	s5 =	simm.s32 @!p2 $0x0  }
0x1d: {  	s5 =	simm.s32 @p1 $0x1;
	p0 =	seq.s32 s7, s2  }
0x1e: {  	s7 =	smul.u32 @!p0 $0xF7A, s2;
	p2 =	seq.s32 @!p0 s5, $0x0  }
0x1f: {  	s9 =	smul.u32 $0xF7A, s1;
	s8 =	simm.s32 @!p0 $0x1BF5;
	p2 =	por !p2, p0  }
0x20: {  	[sflag:s8] =	ssyncset.s32 @!p0 $0xFFFFF086;
	s6 =	sadd.s32 @!p0 s3, s7;
	s7 =	simm.s32 @!p0 $0x108  }
0x21: {  	s3 =	sadd.s32 s3, s9;
	s6 =	sadd.s32 @!p0 $0x88, s6;
	s7 =	simm.s32 @p2 $0x1082  }
0x22: {  	[simem:s7], [sflag:s8] =	dma.local @!p0 [hbm:s6], $0xF7A  }
0x23: {  	s9 =	sor.u32 $0xD0000000, s2;
	s6 =	simm.s32 $0x108;
	_ =	swait.ge @!p0 [sflag:s8], $0x0  }
0x24: {  	s3 =	sadd.s32 $0x88, s3;
	s6 =	simm.s32 @!p1 $0x1082;
	[sflag:s4] =	ssyncset.s32 $0xFFFFF086  }
0x25: {  	[simem:s6], [sflag:s4] =	dma.local [hbm:s3], $0xF7A  }
0x26: {  	[smem:$0x3F9B] =	sst s1;
	(tag) =	ssettag s2;
	_ =	strace s9  }
0x27: {  	s1 =	sld [smem:$0x3FAB]  }
0x28: {  	s2 =	sld [smem:$0x3FAC]  }
0x29: {  	s4 =	sld [smem:$0x3FAE]  }
0x2a: {  	p0 =	seq.s32 s5, $0x0;
	s5 =	sld [smem:$0x3FAF]  }
0x2b: {  	s6 =	sld [smem:$0x3FB0]  }
0x2c: {  	s7 =	sld [smem:$0x3FB1]  }
0x2d: {  	s3 =	simm.s32 $0x108;
	s8 =	sld [smem:$0x3FB2]  }
0x2e: {  	s3 =	simm.s32 @!p0 $0x1082;
	s9 =	sld [smem:$0x3FB3]  }
0x2f: {  	lr =	sadd.s32 s0, s3;
	s0 =	sld [smem:$0x3FAA]  }
0x30: {  	s3 =	sld [smem:$0x3FAD]  }
0x31: {  	[smem:$0x3FB6] =	sst s10  }
0x32: {  	s10 =	sld [smem:$0x3FB4];
	_ =	sdelay $0x3  }
0x33: {  	p0 =	seq.s32 s10, $0x1;
	s10 =	sld [smem:$0x3FB6];
	_ =	sdelay $0x3  }
0x34: {  	[smem:$0x3FB6] =	sst s10  }
0x35: {  	s10 =	sld [smem:$0x3FB5];
	_ =	sdelay $0x3  }
0x36: {  	p1 =	seq.s32 s10, $0x1;
	s10 =	sld [smem:$0x3FB6];
	_ =	sdelay $0x3  }
0x37: {  	[smem:$0x3FB6] =	sst s10  }
0x38: {  	s10 =	sld [smem:$0x3FB7]  }
0x39: {  	_ = 	snop;
	(pc) =	sbr.ind lr, $3  }
0x3a: {  	_ = 	snop  }
0x3b: {  	_ = 	snop  }
0x3c: {  	p2 =	seq.s32 s10, $0x1;
	s10 =	sld [smem:$0x3FB6]  }
0x3d: {  	_ =	shalt  }
0x3e: {  	_ =	shalt  }
0x3f: {  	_ =	shalt  }
0x40: {  	_ =	shalt  }
0x41: {  	_ =	shalt  }
0x42: {  	_ =	shalt  }
0x43: {  	_ =	shalt  }
0x44: {  	_ =	shalt  }
0x45: {  	_ =	shalt  }
0x46: {  	_ =	shalt  }
0x47: {  	_ =	shalt  }
0x48: {  	_ =	shalt  }
0x49: {  	_ =	shalt  }
0x4a: {  	_ =	shalt  }
0x4b: {  	_ =	shalt  }
0x4c: {  	_ =	shalt  }
0x4d: {  	_ =	shalt  }
0x4e: {  	_ =	shalt  }
0x4f: {  	_ =	shalt  }
0x50: {  	_ =	shalt  }
0x51: {  	_ =	shalt  }
0x52: {  	_ =	shalt  }
0x53: {  	_ =	shalt  }
0x54: {  	_ =	shalt  }
0x55: {  	_ =	shalt  }
0x56: {  	_ =	shalt  }
0x57: {  	_ =	shalt  }
0x58: {  	_ =	shalt  }
0x59: {  	_ =	shalt  }
0x5a: {  	_ =	shalt  }
0x5b: {  	_ =	shalt  }
0x5c: {  	_ =	shalt  }
0x5d: {  	_ =	shalt  }
0x5e: {  	_ =	shalt  }
0x5f: {  	_ =	shalt  }
0x60: {  	_ =	shalt  }
0x61: {  	_ =	shalt  }
0x62: {  	_ =	shalt  }
0x63: {  	_ =	shalt  }
0x64: {  	_ =	shalt  }
0x65: {  	_ =	shalt  }
0x66: {  	_ =	shalt  }
0x67: {  	_ =	shalt  }
0x68: {  	_ =	shalt  }
0x69: {  	_ =	shalt  }
0x6a: {  	_ =	shalt  }
0x6b: {  	_ =	shalt  }
0x6c: {  	_ =	shalt  }
0x6d: {  	_ =	shalt  }
0x6e: {  	_ =	shalt  }
0x6f: {  	_ =	shalt  }
0x70: {  	_ =	shalt  }
0x71: {  	_ =	shalt  }
0x72: {  	_ =	shalt  }
0x73: {  	_ =	shalt  }
0x74: {  	_ =	shalt  }
0x75: {  	_ =	shalt  }
0x76: {  	_ =	shalt  }
0x77: {  	_ =	shalt  }
0x78: {  	_ =	shalt  }
0x79: {  	_ =	shalt  }
0x7a: {  	_ =	shalt  }
0x7b: {  	_ =	shalt  }
0x7c: {  	_ =	shalt  }
0x7d: {  	_ =	shalt  }
0x7e: {  	_ =	shalt  }
0x7f: {  	_ =	shalt  }
0x80: {  	_ =	shalt  }
0x81: {  	_ =	shalt  }
0x82: {  	_ =	shalt  }
0x83: {  	_ =	shalt  }
0x84: {  	_ =	shalt  }
0x85: {  	_ =	shalt  }
0x86: {  	_ =	shalt  }
0x87: {  	_ =	shalt  }
.Lfunc_end0:
.L_simem_size_0:
called_computation.2_lowered:
.L_overlay_start_0:
0x88: {  	s2 =	sld [smem:$0x3FD9]  }
0x89: {  	s3 =	sld [smem:$0x3FFE];
	_ =	sdelay $0x1  }
0x8a: {  	s1 =	srdreg.scid  }
0x8b: {  	s0 =	sand.u32 $0x1, s1  }
0x8c: {  	s17 =	sshll.u32 s0, $0xA;
	s2 =	sadd.s32 s3, s2  }
0x8d: {  	s2 =	sadd.s32 s2, s17  }
0x8e: {  	[smem:$0x3FC2] =	sst s2  }
0x8f: {  	_ = 	snop  }
0x90: {  	s2 =	sld [smem:$0x3FD0];
	(tm) =	ssettm $0x1  }
0x91: {  	s18 =	sld [smem:$0x3FFB];
	_ =	sdelay $0x3  }
0x92: {  	_ =	strace s18  }
0x93: {  	s3 =	sld [smem:$0x3FFC];
	_ =	sdelay $0x3  }
0x94: {  	_ =	strace s3  }
0x95: {  	s3 =	sld [smem:$0x3FFD];
	_ =	sdelay $0x3  }
0x96: {  	_ =	strace s3  }
0x97: {  	_ =	strace $0x8FFFFFFF  }
0x98: {  	s19 =	sld [smem:$0x3FDB];
	_ =	sdelay $0x1  }
0x99: {  	s4 =	simm.s32 $_scs_section_size  }
0x9a: {  	s5 =	simm.s32 $_size__tile_overlayer_lowered;
	s6 =	simm.s32 $_tile_overlayer_lowered  }
0x9b: {  	s22 =	simm.s32 $0x1BFF;
	s21 =	sshll.u32 s6, $0x1;
	s3 =	sadd.s32 s4, s19  }
0x9c: {  	s7 =	simm.s32 $0x0;
	s20 =	sshll.u32 s5, $0x1;
	s5 =	sadd.s32 s21, s3  }
0x9d: {  	[timem:s7], [sflag:s22] =	dma.local [hbm:s5], s20  }
0x9e: {  	_ =	swait.ge [sflag:s22], s20  }
0x9f: {  	s4 =	ssub.s32 $0x0, s20;
	[sflag:s22] =	ssyncset.done $0x0  }
0xa0: {  	[sflag:s22] =	ssyncadd.s32 s4;
	_ =	sdelay $0x1  }
0xa1: {  	s23 =	simm.s32 $0x1B8B  }
0xa2: {  	_ =	swait.ge [sflag:s23], $0x1  }
0xa3: {  	[sflag:s23] =	ssyncset.done $0x0  }
0xa4: {  	s25 =	simm.s32 $0x1B8E;
	s24 =	sld [smem:$0x3FFE];
	[sflag:s23] =	ssyncadd.s32 $0xFFFFFFFF  }
0xa5: {  	s26 =	simm.s32 $execute0_lowered;
	[smem:$0x3FD2] =	sst s25  }
0xa6: {  	s5 =	sshll.u32 s26, $0x1;
	_ =	strace $0x8000004C;
	[dreg:$0x1] =	wrdreg $0xFFFFFFFF  }
0xa7: {  	s28 =	simm.s32 $_size_execute0_lowered;
	s3 =	sadd.s32 s3, s5;
	[dreg:$0x0] =	wrdreg $0x0  }
0xa8: {  	s5 =	sshll.u32 s28, $0x1;
	[dreg:$0x2] =	wrdreg s3  }
0xa9: {  	[dreg:$0x3] =	wrdreg s5  }
0xaa: {  	[dreg:$0x4] =	wrdreg $0xC0  }
0xab: {  	_ =	task [dreg:s7], $0x5FFFF  }
0xac: {  	[dreg:$0x1] =	wrdreg $0xFFFFFFFF  }
0xad: {  	[dreg:$0x0] =	wrdreg $0x60  }
0xae: {  	[dreg:$0x2] =	wrdreg s2  }
0xaf: {  	[dreg:$0x3] =	wrdreg s24  }
0xb0: {  	[dreg:$0x4] =	wrdreg $0x196B00  }
0xb1: {  	[dreg:$0x5] =	wrdreg $0x16FA00  }
0xb2: {  	[dreg:$0x6] =	wrdreg $0x9  }
0xb3: {  	_ =	task.clear_ibuf [dreg:s7], $0x7FFFF;
	_ =	strace $0x9000004C  }
0xb4: {  	s29 =	simm.s32 $0x9;
	_ =	strace $0x8000004E  }
0xb5: {  	_ =	swait.ge [sflag:s29], $0x1  }
0xb6: {  	[sflag:s29] =	ssyncadd.s32 $0xFFFFFFFF  }
0xb7: {  	_ =	strace $0x9000004E  }
0xb8: {  	_ =	sfence  }
0xb9: {  	s30 =	sld [smem:$0x0];
	_ =	sdelay $0x2  }
0xba: {  	s31 =	sshll.u32 s1, $0xD;
	s1 =	sshrl.u32 s1, $0x2  }
0xbb: {  	s3 =	sand.u32 $0x4000, s31;
	s1 =	sadd.s32 s1, s30  }
0xbc: {  	s0 =	sor.u32 s3, s0;
	s1 =	sshll.u32 s1, $0x11  }
0xbd: {  	s0 =	sor.u32 s1, s0  }
0xbe: {  	s0 =	sadd.s32 $0x8F2B, s0  }
0xbf: {  	[sflag:s0] =	ssyncadd.remote.s32 $0x1  }
0xc0: {  	_ =	sfence.sel $0xFFFF  }
0xc1: {  	[dreg:$0x0] =	wrdreg $0xFFFFFFFF;
	(pc) =	sbr.abs _section_cstart, $3  }
0xc2: {  	[dreg:$0x1] =	wrdreg $0xFFFFFFFF  }
0xc3: {  	_ =	task.clear_ibuf [dreg:s7], $0x2FFFF;
	_ =	strace $0x9FFFFFFF  }
0xc4: {  	(tm) =	ssettm $0x7FFFFFFF  }
0xc5: {  	_ =	shalt  }
tec
execute0_lowered:
.L_overlay_start_1:
0x0: {  	(tag) =	ssettag $0x1  }
0x1: {  	s0 =	rddreg [dreg:$0x0]  }
0x2: {  	s1 =	rddreg [dreg:$0x1]  }
0x3: {  	s2 =	rddreg [dreg:$0x2]  }
0x4: {  	s3 =	rddreg [dreg:$0x3]  }
0x5: {  	s4 =	srdreg.scid;
	s15 =	stileid.u32  }
0x6: {  	s13 =	simm.s32 $0x2;
	s17 =	simm.s32 $0x2710;
	s18 =	simm.s32 $0x3E8  }
0x7: {  	s19 =	simm.s32 $0x4E20;
	s20 =	simm.s32 $0x8CA0;
	s21 =	simm.s32 $0x1  }
0x8: {  	s23 =	simm.s32 $0xCB20;
	s25 =	simm.s32 $0x109A0;
	s22 =	simm.s32 $0x3A98  }
0x9: {  	s24 =	simm.s32 $0x1F40;
	s28 =	simm.s32 $0x3E80;
	s29 =	simm.s32 $0x4268  }
0xa: {  	s30 =	simm.s32 $0x4650;
	s31 =	simm.s32 $0x4A38;
	s5 =	sand.u32 $0x1, s4  }
0xb: {  	s6 =	sshll.u32 s15, $0x1;
	s7 =	smul.u32 $0x2780, s15;
	s4 =	simm.s32 $0x0  }
0xc: {  	s14 =	sadd.s32 $0x25080, s3;
	p0 =	seq.s32 s15, $0xF;
	s6 =	sor.u32 s5, s6  }
0xd: {  	s8 =	smul.u32 $0x27800, s5;
	[smem:$0x7FF] =	sst s4;
	s5 =	ssub.s32 $0x2, s5  }
0xe: {  	s14 =	sshrl.u32 @p0 s14, $0x3;
	s6 =	smul.u32 $0x2710, s6;
	_ =	strace $0x8000004D  }
0xf: {  	s9 =	sshrl.u32 s5, $0x1;
	s12 =	sadd.s32 s7, s3;
	s26 =	sshrl.u32 s7, $0x3  }
0x10: {  	s8 =	sadd.s32 s7, s8;
	s11 =	ssub.s32 s5, s9;
	s5 =	sadd.s32 s7, s2  }
0x11: {  	s7 =	sadd.s32 $0x4A10, s0;
	s16 =	sshrl.u32 @!p0 s12, $0x3;
	s6 =	sshrl.u32 s6, $0x3  }
0x12: {  	s8 =	sshrl.u32 s8, $0x3;
	s11 =	smax.u32 s11, $0x1;
	s10 =	sadd.s32 s6, s1  }
0x13: {  	s1 =	sadd.s32 s8, s1;
	s6 =	sadd.s32 s0, s26;
	s0 =	sshll.u32 @!p0 s15, $0x6  }
0x14: {  	s26 =	simm.s32 $0x2328;
	s8 =	sadd.s32 $0x2800, s10;
	s9 =	sadd.s32 $0xC440, s10  }
0x15: {  	v0 =	vimm.f32 $0.0e+00;
	s10 =	sadd.s32 $0x16200, s1;
	s15 =	sor.u32 @!p0 $0x1C02, s0;
	s0 =	simm.s32 $0x0  }
.LBB2_1:
0x16: {  	s1 =	simm.s32 $0x14860  }
0x17: {  	[tilespmem:s1+$0xFFFFFFC0] =	vst v0  }
0x18: {  	[tilespmem:s1+$0x30] =	vst v0  }
0x19: {  	[tilespmem:s1+$0x20] =	vst v0  }
0x1a: {  	[tilespmem:s1+$0x10] =	vst v0  }
0x1b: {  	[tilespmem:s1+$0x0] =	vst v0  }
0x1c: {  	[tilespmem:s1+$0xFFFFFFF0] =	vst v0  }
0x1d: {  	s12 =	simm.s32 $0x0;
	[tilespmem:s1+$0xFFFFFFE0] =	vst v0  }
.LBB2_2:
0x1e: {  	s12 =	sadd.s32 $0x8, s12;
	[tilespmem:s1+$0xFFFFFFD0] =	vst v0;
	s1 =	sadd.s32 $0x80, s1  }
0x1f: {  	[tilespmem:s1+$0xFFFFFFC0] =	vst v0;
	p1 =	slt.u32 s12, $0x270  }
0x20: {  	[tilespmem:s1+$0x30] =	vst v0  }
.Ltmp0:
0x21: {  	[tilespmem:s1+$0x20] =	vst v0;
	(pc) =	sbr.rel @p1 .LBB2_2-.Ltmp0, $4  }
0x22: {  	[tilespmem:s1+$0x10] =	vst v0  }
0x23: {  	[tilespmem:s1+$0x0] =	vst v0  }
0x24: {  	[tilespmem:s1+$0xFFFFFFF0] =	vst v0  }
0x25: {  	[tilespmem:s1+$0xFFFFFFE0] =	vst v0  }
0x26: {  	[tilespmem:s1+$0xFFFFFFD0] =	vst v0;
	s12 =	simm.s32 $0x14820  }
0x27: {  	[spmem:s5] =	stream.linear.scatter [tilespmem:s12], [sflag:$0x2], $0x2780, $0x38;
	[tilespmem:$0x1BE30] =	vst v63  }
0x28: {  	_ =	swait.ge [sflag:s13], $0x2780  }
0x29: {  	[sflag:s13] =	ssyncset.done $0x0  }
0x2a: {  	s1 =	simm.s32 @p0 $0x1FC2;
	[sflag:s13] =	ssyncadd.s32 $0xFFFFD880  }
0x2b: {  	[spmem:s14], [sflag:s1] =	dma.local @p0 [hbm:s7], $0x410  }
0x2c: {  	s1 =	simm.s32 @p0 $0x2  }
0x2d: {  	_ =	swait.ge @p0 [sflag:s1], $0x410  }
0x2e: {  	[sflag:s1] =	ssyncset.done @p0 $0x0  }
0x2f: {  	[sflag:s1] =	ssyncadd.s32 @p0 $0xFFFFFBF0;
	s1 =	simm.s32 @!p0 $0x2  }
0x30: {  	[spmem:s16], [sflag:s15] =	dma.local @!p0 [hbm:s6], $0x4F0  }
0x31: {  	_ =	swait.ge @!p0 [sflag:s1], $0x4F0  }
0x32: {  	[sflag:s1] =	ssyncset.done @!p0 $0x0  }
0x33: {  	[sflag:s1] =	ssyncadd.s32 @!p0 $0xFFFFFB10  }
0x34: {  	[tilespmem:s4], [sflag:$0x2] =	stream.linear.gather [hbm4b:s8+s4], $0x2710, $0x38;
	[tilespmem:$0x1BE30] =	vst v63  }
0x35: {  	_ =	swait.ge [sflag:s13], $0x2710  }
0x36: {  	[sflag:s13] =	ssyncset.done $0x0  }
0x37: {  	[sflag:s13] =	ssyncadd.s32 $0xFFFFD8F0  }
0x38: {  	[tilespmem:s17], [sflag:$0x2] =	stream.linear.gather [hbm4b:s9+s4], $0x2710, $0x38;
	[tilespmem:$0x1BE30] =	vst v63  }
0x39: {  	_ =	swait.ge [sflag:s13], $0x2710  }
0x3a: {  	[sflag:s13] =	ssyncset.done $0x0  }
0x3b: {  	[sflag:s13] =	ssyncadd.s32 $0xFFFFD8F0  }
0x3c: {  	[bflag:$0x0] =	sbarrier.arrive $0xFFFF  }
0x3d: {  	[tilespmem:s19], [sflag:$0x1] =	stream.indirect.gather [spmem:s3], $0x10, s4, s18, $0xb8;
	[tilespmem:$0x1BE30] =	vst v63  }
0x3e: {  	_ = 	snop  }
0x3f: {  	[tilespmem:s20], [sflag:$0x1] =	stream.indirect.gather [spmem:s3], $0x10, s18, s18, $0xb8;
	[tilespmem:$0x1BE30] =	vst v63  }
0x40: {  	_ =	swait.ge [sflag:s21], $0x3E80  }
0x41: {  	[sflag:s21] =	ssyncset.done $0x0  }
0x42: {  	[sflag:s21] =	ssyncadd.s32 $0xFFFFC180  }
0x43: {  	_ =	swait.ge [sflag:s21], $0x3E80  }
0x44: {  	[sflag:s21] =	ssyncset.done $0x0  }
0x45: {  	s12 =	simm.s32 $0x7D0;
	[sflag:s21] =	ssyncadd.s32 $0xFFFFC180  }
0x46: {  	[tilespmem:s23], [sflag:$0x1] =	stream.indirect.gather [spmem:s3], $0x10, s12, s18, $0xb8;
	[tilespmem:$0x1BE30] =	vst v63  }
0x47: {  	s12 =	simm.s32 $0xBB8  }
0x48: {  	[tilespmem:s25], [sflag:$0x1] =	stream.indirect.gather [spmem:s3], $0x10, s12, s18, $0xb8;
	[tilespmem:$0x1BE30] =	vst v63  }
0x49: {  	_ = 	snop  }
0x4a: {  	[spmem:s2] =	stream.indirect.scatter.add.f32 [tilespmem:s19], [sflag:$0x2], $0x10, s17, s18, $0xb8;
	[tilespmem:$0x1BE30] =	vst v63  }
0x4b: {  	_ =	swait.ge [sflag:s13], $0x3E80  }
0x4c: {  	[sflag:s13] =	ssyncset.done $0x0  }
0x4d: {  	s12 =	simm.s32 $0x2AF8;
	[sflag:s13] =	ssyncadd.s32 $0xFFFFC180  }
0x4e: {  	[spmem:s2] =	stream.indirect.scatter.add.f32 [tilespmem:s20], [sflag:$0x2], $0x10, s12, s18, $0xb8;
	[tilespmem:$0x1BE30] =	vst v63  }
0x4f: {  	_ =	swait.ge [sflag:s13], $0x3E80  }
0x50: {  	[sflag:s13] =	ssyncset.done $0x0  }
0x51: {  	[sflag:s13] =	ssyncadd.s32 $0xFFFFC180  }
0x52: {  	_ =	swait.ge [sflag:s21], $0x3E80  }
0x53: {  	[sflag:s21] =	ssyncset.done $0x0  }
0x54: {  	[sflag:s21] =	ssyncadd.s32 $0xFFFFC180  }
0x55: {  	_ =	swait.ge [sflag:s21], $0x3E80  }
0x56: {  	[sflag:s21] =	ssyncset.done $0x0  }
0x57: {  	s12 =	simm.s32 $0xFA0;
	[sflag:s21] =	ssyncadd.s32 $0xFFFFC180  }
0x58: {  	[tilespmem:s19], [sflag:$0x1] =	stream.indirect.gather [spmem:s3], $0x10, s12, s18, $0xb8;
	[tilespmem:$0x1BE30] =	vst v63  }
0x59: {  	s12 =	simm.s32 $0x1388  }
0x5a: {  	[tilespmem:s20], [sflag:$0x1] =	stream.indirect.gather [spmem:s3], $0x10, s12, s18, $0xb8;
	[tilespmem:$0x1BE30] =	vst v63  }
0x5b: {  	s12 =	simm.s32 $0x2EE0  }
0x5c: {  	[spmem:s2] =	stream.indirect.scatter.add.f32 [tilespmem:s23], [sflag:$0x2], $0x10, s12, s18, $0xb8;
	[tilespmem:$0x1BE30] =	vst v63  }
0x5d: {  	_ =	swait.ge [sflag:s13], $0x3E80  }
0x5e: {  	[sflag:s13] =	ssyncset.done $0x0  }
0x5f: {  	s12 =	simm.s32 $0x32C8;
	[sflag:s13] =	ssyncadd.s32 $0xFFFFC180  }
0x60: {  	[spmem:s2] =	stream.indirect.scatter.add.f32 [tilespmem:s25], [sflag:$0x2], $0x10, s12, s18, $0xb8;
	[tilespmem:$0x1BE30] =	vst v63  }
0x61: {  	_ =	swait.ge [sflag:s13], $0x3E80  }
0x62: {  	[sflag:s13] =	ssyncset.done $0x0  }
0x63: {  	[sflag:s13] =	ssyncadd.s32 $0xFFFFC180  }
0x64: {  	_ =	swait.ge [sflag:s21], $0x3E80  }
0x65: {  	[sflag:s21] =	ssyncset.done $0x0  }
0x66: {  	[sflag:s21] =	ssyncadd.s32 $0xFFFFC180  }
0x67: {  	_ =	swait.ge [sflag:s21], $0x3E80  }
0x68: {  	[sflag:s21] =	ssyncset.done $0x0  }
0x69: {  	s12 =	simm.s32 $0x1770;
	[sflag:s21] =	ssyncadd.s32 $0xFFFFC180  }
0x6a: {  	[tilespmem:s23], [sflag:$0x1] =	stream.indirect.gather [spmem:s3], $0x10, s12, s18, $0xb8;
	[tilespmem:$0x1BE30] =	vst v63  }
0x6b: {  	s12 =	simm.s32 $0x1B58  }
0x6c: {  	[tilespmem:s25], [sflag:$0x1] =	stream.indirect.gather [spmem:s3], $0x10, s12, s18, $0xb8;
	[tilespmem:$0x1BE30] =	vst v63  }
0x6d: {  	s12 =	simm.s32 $0x36B0  }
0x6e: {  	[spmem:s2] =	stream.indirect.scatter.add.f32 [tilespmem:s19], [sflag:$0x2], $0x10, s12, s18, $0xb8;
	[tilespmem:$0x1BE30] =	vst v63  }
0x6f: {  	_ =	swait.ge [sflag:s13], $0x3E80  }
0x70: {  	[sflag:s13] =	ssyncset.done $0x0  }
0x71: {  	[sflag:s13] =	ssyncadd.s32 $0xFFFFC180  }
0x72: {  	[spmem:s2] =	stream.indirect.scatter.add.f32 [tilespmem:s20], [sflag:$0x2], $0x10, s22, s18, $0xb8;
	[tilespmem:$0x1BE30] =	vst v63  }
0x73: {  	_ =	swait.ge [sflag:s13], $0x3E80  }
0x74: {  	[sflag:s13] =	ssyncset.done $0x0  }
0x75: {  	[sflag:s13] =	ssyncadd.s32 $0xFFFFC180  }
0x76: {  	_ =	swait.ge [sflag:s21], $0x3E80  }
0x77: {  	[sflag:s21] =	ssyncset.done $0x0  }
0x78: {  	[sflag:s21] =	ssyncadd.s32 $0xFFFFC180  }
0x79: {  	_ =	swait.ge [sflag:s21], $0x3E80  }
0x7a: {  	[sflag:s21] =	ssyncset.done $0x0  }
0x7b: {  	[sflag:s21] =	ssyncadd.s32 $0xFFFFC180  }
0x7c: {  	[tilespmem:s19], [sflag:$0x1] =	stream.indirect.gather [spmem:s3], $0x10, s24, s18, $0xb8;
	[tilespmem:$0x1BE30] =	vst v63  }
0x7d: {  	_ = 	snop  }
0x7e: {  	[tilespmem:s20], [sflag:$0x1] =	stream.indirect.gather [spmem:s3], $0x10, s26, s18, $0xb8;
	[tilespmem:$0x1BE30] =	vst v63  }
0x7f: {  	_ = 	snop  }
0x80: {  	[spmem:s2] =	stream.indirect.scatter.add.f32 [tilespmem:s23], [sflag:$0x2], $0x10, s28, s18, $0xb8;
	[tilespmem:$0x1BE30] =	vst v63  }
0x81: {  	_ =	swait.ge [sflag:s13], $0x3E80  }
0x82: {  	[sflag:s13] =	ssyncset.done $0x0  }
0x83: {  	[sflag:s13] =	ssyncadd.s32 $0xFFFFC180  }
0x84: {  	[spmem:s2] =	stream.indirect.scatter.add.f32 [tilespmem:s25], [sflag:$0x2], $0x10, s29, s18, $0xb8;
	[tilespmem:$0x1BE30] =	vst v63  }
0x85: {  	_ =	swait.ge [sflag:s13], $0x3E80  }
0x86: {  	[sflag:s13] =	ssyncset.done $0x0  }
0x87: {  	[sflag:s13] =	ssyncadd.s32 $0xFFFFC180  }
0x88: {  	_ =	swait.ge [sflag:s21], $0x3E80  }
0x89: {  	[sflag:s21] =	ssyncset.done $0x0  }
0x8a: {  	[sflag:s21] =	ssyncadd.s32 $0xFFFFC180  }
0x8b: {  	_ =	swait.ge [sflag:s21], $0x3E80  }
0x8c: {  	[sflag:s21] =	ssyncset.done $0x0  }
0x8d: {  	[sflag:s21] =	ssyncadd.s32 $0xFFFFC180  }
0x8e: {  	[spmem:s2] =	stream.indirect.scatter.add.f32 [tilespmem:s19], [sflag:$0x2], $0x10, s30, s18, $0xb8;
	[tilespmem:$0x1BE30] =	vst v63  }
0x8f: {  	_ =	swait.ge [sflag:s13], $0x3E80  }
0x90: {  	[sflag:s13] =	ssyncset.done $0x0  }
0x91: {  	[sflag:s13] =	ssyncadd.s32 $0xFFFFC180  }
0x92: {  	[spmem:s2] =	stream.indirect.scatter.add.f32 [tilespmem:s20], [sflag:$0x2], $0x10, s31, s18, $0xb8;
	[tilespmem:$0x1BE30] =	vst v63  }
0x93: {  	s0 =	sadd.s32 $0x1, s0;
	_ =	swait.ge [sflag:s13], $0x3E80  }
0x94: {  	p1 =	sne.s32 s0, s11;
	s12 =	stileid.u32;
	[sflag:s13] =	ssyncset.done $0x0  }
0x95: {  	s1 =	sshll.u32 s12, $0x6;
	s12 =	sshrl.u32 s5, $0x3;
	[sflag:s13] =	ssyncadd.s32 $0xFFFFC180  }
.Ltmp1:
0x96: {  	s1 =	sor.u32 $0x1C02, s1;
	[bflag:$0x0] =	sbarrier.arrive $0xFFFF;
	(pc) =	sbr.rel @p1 .LBB2_1-.Ltmp1, $4  }
0x97: {  	[hbm:s10], [sflag:s1] =	dma.local [spmem:s12], $0x4F0  }
0x98: {  	_ =	swait.ge [sflag:s13], $0x4F0  }
0x99: {  	[sflag:s13] =	ssyncset.done $0x0  }
0x9a: {  	[sflag:s13] =	ssyncadd.s32 $0xFFFFFB10  }
0x9b: {  	_ =	sfence.sel $0x180000  }
0x9c: {  	[bflag:$0x0] =	sbarrier.arrive $0xFFFF  }
0x9d: {  	_ =	strace $0x9000004D  }
0x9e: {  	s0 =	stileid.u32;
	[bflag:$0x2] =	sbarrier.arrive $0xFFFF  }
0x9f: {  	p0 =	sne.s32 s0, $0x0;
	s0 =	rddreg [dreg:$0x4]  }
0xa0: {  	s0 =	sadd.s32 @!p0 $0x100000, s0  }
0xa1: {  	[sflag:s0] =	ssyncadd.tile.s32 @!p0 $0x1;
	_ =	shalt  }
.Lfunc_end2:
_tile_overlayer_lowered:
.L_overlay_start_2:
0xa2: {  	(tag) =	ssettag $0x2  }
0xa3: {  	s0 =	rddreg [dreg:$0x0];
	s2 =	stileid.u32  }
0xa4: {  	s1 =	rddreg [dreg:$0x1];
	p0 =	sne.s32 s2, $0x0  }
0xa5: {  	s3 =	rddreg [dreg:$0x2];
	[bflag:$0x3] =	sbarrier.arrive $0xFFFF;
	s2 =	simm.s32 @!p0 $0x1C02  }
0xa6: {  	[timem:s3], [sflag:s2] =	dma.local @!p0 [hbm:s0], s1  }
0xa7: {  	s0 =	simm.s32 @!p0 $0x2  }
0xa8: {  	_ =	swait.ge @!p0 [sflag:s0], s1  }
0xa9: {  	s1 =	ssub.s32 @!p0 $0x0, s1;
	[sflag:s0] =	ssyncset.done @!p0 $0x0  }
0xaa: {  	[sflag:s0] =	ssyncadd.s32 @!p0 s1  }
0xab: {  	[bflag:$0x3] =	sbarrier.arrive $0xFFFF  }
0xac: {  	_ =	shalt  }

// kernel: kernel.9.cloned.1.call-start
scs
__scs_entry_jumppad:
0x0: {  	(pc) =	sbr.rel $0x88, $3  }
0x1: {  	(tag) =	ssettag $0x0;
	lr =	simm.s32 $0x1  }
0x2: {  	[smem:$0x3F9B] =	sst lr;
	_ =	strace $0xD0000000  }
0x3: {  	_ = 	snop  }
0x4: {  	_ = 	snop  }
0x5: {  	_ = 	snop  }
0x6: {  	_ = 	snop  }
0x7: {  	_ = 	snop  }
__scs_overlays_trampoline_lowered:
0x8: {  	[smem:$0x3FAA] =	sst s0  }
0x9: {  	[smem:$0x3FAB] =	sst s1  }
0xa: {  	[smem:$0x3FAC] =	sst s2  }
0xb: {  	[smem:$0x3FAD] =	sst s3  }
0xc: {  	[smem:$0x3FAE] =	sst s4  }
0xd: {  	[smem:$0x3FAF] =	sst s5  }
0xe: {  	[smem:$0x3FB0] =	sst s6  }
0xf: {  	[smem:$0x3FB1] =	sst s7  }
0x10: {  	[smem:$0x3FB2] =	sst s8  }
0x11: {  	[smem:$0x3FB3] =	sst s9;
	s0 =	simm.s32 @!p0 $0x0  }
0x12: {  	s1 =	sld [smem:$0x3F99];
	s0 =	simm.s32 @p0 $0x1  }
0x13: {  	[smem:$0x3FB4] =	sst s0;
	s0 =	simm.s32 @!p1 $0x0  }
0x14: {  	s2 =	sld [smem:$0x3F98];
	s0 =	simm.s32 @p1 $0x1  }
0x15: {  	[smem:$0x3FB5] =	sst s0;
	s0 =	simm.s32 @!p2 $0x0  }
0x16: {  	s3 =	sld [smem:$0x3FDB];
	s0 =	simm.s32 @p2 $0x1  }
0x17: {  	s4 =	simm.s32 $0x1BF5;
	[smem:$0x3FB7] =	sst s0  }
0x18: {  	s0 =	sld [smem:$0x3F9A];
	_ =	swait.ge [sflag:s4], $0x0  }
0x19: {  	s7 =	sld [smem:$0x3F9B]  }
0x1a: {  	s8 =	sadd.s32 $0xFFFFE003, lr  }
0x1b: {  	s9 =	sadd.s32 $0xFFFFFEF7, lr;
	s5 =	simm.s32 $0xFFFFFFFF;
	p2 =	slt.u32 s8, $0xFFFFF086  }
0x1c: {  	p1 =	slt.u32 s9, $0xF7A;
	s5 =	simm.s32 @!p2 $0x0  }
0x1d: {  	s5 =	simm.s32 @p1 $0x1;
	p0 =	seq.s32 s7, s2  }
0x1e: {  	s7 =	smul.u32 @!p0 $0xF7A, s2;
	p2 =	seq.s32 @!p0 s5, $0x0  }
0x1f: {  	s9 =	smul.u32 $0xF7A, s1;
	s8 =	simm.s32 @!p0 $0x1BF5;
	p2 =	por !p2, p0  }
0x20: {  	[sflag:s8] =	ssyncset.s32 @!p0 $0xFFFFF086;
	s6 =	sadd.s32 @!p0 s3, s7;
	s7 =	simm.s32 @!p0 $0x108  }
0x21: {  	s3 =	sadd.s32 s3, s9;
	s6 =	sadd.s32 @!p0 $0x88, s6;
	s7 =	simm.s32 @p2 $0x1082  }
0x22: {  	[simem:s7], [sflag:s8] =	dma.local @!p0 [hbm:s6], $0xF7A  }
0x23: {  	s9 =	sor.u32 $0xD0000000, s2;
	s6 =	simm.s32 $0x108;
	_ =	swait.ge @!p0 [sflag:s8], $0x0  }
0x24: {  	s3 =	sadd.s32 $0x88, s3;
	s6 =	simm.s32 @!p1 $0x1082;
	[sflag:s4] =	ssyncset.s32 $0xFFFFF086  }
0x25: {  	[simem:s6], [sflag:s4] =	dma.local [hbm:s3], $0xF7A  }
0x26: {  	[smem:$0x3F9B] =	sst s1;
	(tag) =	ssettag s2;
	_ =	strace s9  }
0x27: {  	s1 =	sld [smem:$0x3FAB]  }
0x28: {  	s2 =	sld [smem:$0x3FAC]  }
0x29: {  	s4 =	sld [smem:$0x3FAE]  }
0x2a: {  	p0 =	seq.s32 s5, $0x0;
	s5 =	sld [smem:$0x3FAF]  }
0x2b: {  	s6 =	sld [smem:$0x3FB0]  }
0x2c: {  	s7 =	sld [smem:$0x3FB1]  }
0x2d: {  	s3 =	simm.s32 $0x108;
	s8 =	sld [smem:$0x3FB2]  }
0x2e: {  	s3 =	simm.s32 @!p0 $0x1082;
	s9 =	sld [smem:$0x3FB3]  }
0x2f: {  	lr =	sadd.s32 s0, s3;
	s0 =	sld [smem:$0x3FAA]  }
0x30: {  	s3 =	sld [smem:$0x3FAD]  }
0x31: {  	[smem:$0x3FB6] =	sst s10  }
0x32: {  	s10 =	sld [smem:$0x3FB4];
	_ =	sdelay $0x3  }
0x33: {  	p0 =	seq.s32 s10, $0x1;
	s10 =	sld [smem:$0x3FB6];
	_ =	sdelay $0x3  }
0x34: {  	[smem:$0x3FB6] =	sst s10  }
0x35: {  	s10 =	sld [smem:$0x3FB5];
	_ =	sdelay $0x3  }
0x36: {  	p1 =	seq.s32 s10, $0x1;
	s10 =	sld [smem:$0x3FB6];
	_ =	sdelay $0x3  }
0x37: {  	[smem:$0x3FB6] =	sst s10  }
0x38: {  	s10 =	sld [smem:$0x3FB7]  }
0x39: {  	_ = 	snop;
	(pc) =	sbr.ind lr, $3  }
0x3a: {  	_ = 	snop  }
0x3b: {  	_ = 	snop  }
0x3c: {  	p2 =	seq.s32 s10, $0x1;
	s10 =	sld [smem:$0x3FB6]  }
0x3d: {  	_ =	shalt  }
0x3e: {  	_ =	shalt  }
0x3f: {  	_ =	shalt  }
0x40: {  	_ =	shalt  }
0x41: {  	_ =	shalt  }
0x42: {  	_ =	shalt  }
0x43: {  	_ =	shalt  }
0x44: {  	_ =	shalt  }
0x45: {  	_ =	shalt  }
0x46: {  	_ =	shalt  }
0x47: {  	_ =	shalt  }
0x48: {  	_ =	shalt  }
0x49: {  	_ =	shalt  }
0x4a: {  	_ =	shalt  }
0x4b: {  	_ =	shalt  }
0x4c: {  	_ =	shalt  }
0x4d: {  	_ =	shalt  }
0x4e: {  	_ =	shalt  }
0x4f: {  	_ =	shalt  }
0x50: {  	_ =	shalt  }
0x51: {  	_ =	shalt  }
0x52: {  	_ =	shalt  }
0x53: {  	_ =	shalt  }
0x54: {  	_ =	shalt  }
0x55: {  	_ =	shalt  }
0x56: {  	_ =	shalt  }
0x57: {  	_ =	shalt  }
0x58: {  	_ =	shalt  }
0x59: {  	_ =	shalt  }
0x5a: {  	_ =	shalt  }
0x5b: {  	_ =	shalt  }
0x5c: {  	_ =	shalt  }
0x5d: {  	_ =	shalt  }
0x5e: {  	_ =	shalt  }
0x5f: {  	_ =	shalt  }
0x60: {  	_ =	shalt  }
0x61: {  	_ =	shalt  }
0x62: {  	_ =	shalt  }
0x63: {  	_ =	shalt  }
0x64: {  	_ =	shalt  }
0x65: {  	_ =	shalt  }
0x66: {  	_ =	shalt  }
0x67: {  	_ =	shalt  }
0x68: {  	_ =	shalt  }
0x69: {  	_ =	shalt  }
0x6a: {  	_ =	shalt  }
0x6b: {  	_ =	shalt  }
0x6c: {  	_ =	shalt  }
0x6d: {  	_ =	shalt  }
0x6e: {  	_ =	shalt  }
0x6f: {  	_ =	shalt  }
0x70: {  	_ =	shalt  }
0x71: {  	_ =	shalt  }
0x72: {  	_ =	shalt  }
0x73: {  	_ =	shalt  }
0x74: {  	_ =	shalt  }
0x75: {  	_ =	shalt  }
0x76: {  	_ =	shalt  }
0x77: {  	_ =	shalt  }
0x78: {  	_ =	shalt  }
0x79: {  	_ =	shalt  }
0x7a: {  	_ =	shalt  }
0x7b: {  	_ =	shalt  }
0x7c: {  	_ =	shalt  }
0x7d: {  	_ =	shalt  }
0x7e: {  	_ =	shalt  }
0x7f: {  	_ =	shalt  }
0x80: {  	_ =	shalt  }
0x81: {  	_ =	shalt  }
0x82: {  	_ =	shalt  }
0x83: {  	_ =	shalt  }
0x84: {  	_ =	shalt  }
0x85: {  	_ =	shalt  }
0x86: {  	_ =	shalt  }
0x87: {  	_ =	shalt  }
.Lfunc_end0:
.L_simem_size_0:
called_computation_lowered:
.L_overlay_start_0:
0x88: {  	s2 =	sld [smem:$0x3FD9]  }
0x89: {  	s3 =	sld [smem:$0x3FFE];
	_ =	sdelay $0x1  }
0x8a: {  	s1 =	srdreg.scid  }
0x8b: {  	s0 =	sand.u32 $0x1, s1  }
0x8c: {  	s16 =	sshll.u32 s0, $0xA;
	s2 =	sadd.s32 s3, s2  }
0x8d: {  	s2 =	sadd.s32 s2, s16  }
0x8e: {  	[smem:$0x3FC2] =	sst s2  }
0x8f: {  	_ = 	snop  }
0x90: {  	(tm) =	ssettm $0x1  }
0x91: {  	s17 =	sld [smem:$0x3FFB];
	_ =	sdelay $0x3  }
0x92: {  	_ =	strace s17  }
0x93: {  	s2 =	sld [smem:$0x3FFC];
	_ =	sdelay $0x3  }
0x94: {  	_ =	strace s2  }
0x95: {  	s2 =	sld [smem:$0x3FFD];
	_ =	sdelay $0x3  }
0x96: {  	_ =	strace s2  }
0x97: {  	_ =	strace $0x8FFFFFFF  }
0x98: {  	s18 =	sld [smem:$0x3FDB];
	_ =	sdelay $0x1  }
0x99: {  	s19 =	simm.s32 $_scs_section_size  }
0x9a: {  	s4 =	simm.s32 $_size__tile_overlayer_lowered;
	s5 =	simm.s32 $_tile_overlayer_lowered  }
0x9b: {  	s22 =	simm.s32 $0x1BFF;
	s21 =	sshll.u32 s5, $0x1;
	s2 =	sadd.s32 s19, s18  }
0x9c: {  	s6 =	simm.s32 $0x0;
	s20 =	sshll.u32 s4, $0x1;
	s4 =	sadd.s32 s21, s2  }
0x9d: {  	[timem:s6], [sflag:s22] =	dma.local [hbm:s4], s20  }
0x9e: {  	_ =	swait.ge [sflag:s22], s20  }
0x9f: {  	s3 =	ssub.s32 $0x0, s20;
	[sflag:s22] =	ssyncset.done $0x0  }
0xa0: {  	[sflag:s22] =	ssyncadd.s32 s3;
	_ =	sdelay $0x1  }
0xa1: {  	s23 =	simm.s32 $0x1B8B  }
0xa2: {  	_ =	swait.ge [sflag:s23], $0x1  }
0xa3: {  	[sflag:s23] =	ssyncset.done $0x0  }
0xa4: {  	s25 =	simm.s32 $0x1B8E;
	s24 =	sld [smem:$0x3FFE];
	[sflag:s23] =	ssyncadd.s32 $0xFFFFFFFF  }
0xa5: {  	s26 =	simm.s32 $execute0_lowered;
	[smem:$0x3FD2] =	sst s25  }
0xa6: {  	s4 =	sshll.u32 s26, $0x1;
	_ =	strace $0x80000046;
	[dreg:$0x1] =	wrdreg $0xFFFFFFFF  }
0xa7: {  	s28 =	simm.s32 $_size_execute0_lowered;
	s2 =	sadd.s32 s2, s4;
	[dreg:$0x0] =	wrdreg $0x0  }
0xa8: {  	s4 =	sshll.u32 s28, $0x1;
	[dreg:$0x2] =	wrdreg s2  }
0xa9: {  	[dreg:$0x3] =	wrdreg s4  }
0xaa: {  	[dreg:$0x4] =	wrdreg $0xC0  }
0xab: {  	_ =	task [dreg:s6], $0x5FFFF  }
0xac: {  	[dreg:$0x1] =	wrdreg $0xFFFFFFFF  }
0xad: {  	[dreg:$0x0] =	wrdreg $0x60  }
0xae: {  	[dreg:$0x2] =	wrdreg s24  }
0xaf: {  	[dreg:$0x3] =	wrdreg $0x8D100  }
0xb0: {  	[dreg:$0x4] =	wrdreg $0x9  }
0xb1: {  	_ =	task.clear_ibuf [dreg:s6], $0x5FFFF;
	_ =	strace $0x90000046  }
0xb2: {  	s29 =	simm.s32 $0x9;
	_ =	strace $0x80000048  }
0xb3: {  	_ =	swait.ge [sflag:s29], $0x1  }
0xb4: {  	[sflag:s29] =	ssyncadd.s32 $0xFFFFFFFF  }
0xb5: {  	_ =	strace $0x90000048  }
0xb6: {  	_ =	sfence  }
0xb7: {  	s30 =	sld [smem:$0x0];
	_ =	sdelay $0x2  }
0xb8: {  	s31 =	sshll.u32 s1, $0xD;
	s1 =	sshrl.u32 s1, $0x2  }
0xb9: {  	s3 =	sand.u32 $0x4000, s31;
	s1 =	sadd.s32 s1, s30  }
0xba: {  	s0 =	sor.u32 s3, s0;
	s1 =	sshll.u32 s1, $0x11  }
0xbb: {  	s0 =	sor.u32 s1, s0  }
0xbc: {  	s0 =	sadd.s32 $0x8F2B, s0  }
0xbd: {  	[sflag:s0] =	ssyncadd.remote.s32 $0x1  }
0xbe: {  	_ =	sfence.sel $0xFFFF  }
0xbf: {  	[dreg:$0x0] =	wrdreg $0xFFFFFFFF;
	(pc) =	sbr.abs _section_cstart, $3  }
0xc0: {  	[dreg:$0x1] =	wrdreg $0xFFFFFFFF  }
0xc1: {  	_ =	task.clear_ibuf [dreg:s6], $0x2FFFF;
	_ =	strace $0x9FFFFFFF  }
0xc2: {  	(tm) =	ssettm $0x7FFFFFFF  }
0xc3: {  	_ =	shalt  }
tec
execute0_lowered:
.L_overlay_start_1:
0x0: {  	(tag) =	ssettag $0x1  }
0x1: {  	s4 =	rddreg [dreg:$0x0]  }
0x2: {  	s2 =	rddreg [dreg:$0x1]  }
0x3: {  	s0 =	rddreg [dreg:$0x2]  }
0x4: {  	s3 =	srdreg.scid;
	s1 =	stileid.u32;
	s10 =	simm.s32 $0x3E8  }
0x5: {  	s11 =	simm.s32 $0x2710;
	s12 =	simm.s32 $0x7D0;
	s13 =	simm.s32 $0xBB8  }
0x6: {  	s14 =	simm.s32 $0xFA0;
	s15 =	simm.s32 $0x1388;
	s16 =	simm.s32 $0x1770  }
0x7: {  	s17 =	simm.s32 $0x1B58;
	s18 =	simm.s32 $0x1F40;
	s19 =	simm.s32 $0x2328  }
0x8: {  	s5 =	sand.u32 $0x1, s3;
	s6 =	smul.u32 $0x2780, s1;
	s7 =	sshll.u32 s1, $0x1  }
0x9: {  	s3 =	simm.s32 $0x0;
	s8 =	smul.u32 $0x27800, s5;
	s7 =	sor.u32 s5, s7  }
0xa: {  	s20 =	simm.s32 $0x0;
	[smem:$0x7FF] =	sst s3;
	s7 =	smul.u32 $0x2710, s7  }
0xb: {  	s5 =	ssub.s32 $0x2, s5;
	_ =	strace $0x80000047;
	s8 =	sadd.s32 s6, s8  }
0xc: {  	s9 =	sshrl.u32 s5, $0x1;
	s8 =	sshrl.u32 s8, $0x3;
	s7 =	sshrl.u32 s7, $0x3  }
0xd: {  	s9 =	ssub.s32 s5, s9;
	s8 =	sadd.s32 s8, s4;
	s7 =	sadd.s32 s4, s7  }
0xe: {  	s4 =	sadd.s32 s6, s2;
	s5 =	sadd.s32 $0xC440, s7;
	s6 =	sadd.s32 $0x16200, s8  }
0xf: {  	v0 =	vimm.f32 $0.0e+00;
	v1 =	vimm.f32 $1.000000000e+00;
	s7 =	smax.u32 s9, $0x1;
	s8 =	simm.s32 $0x6590;
	s9 =	simm.s32 $0x1  }
.LBB2_1:
0x10: {  	s21 =	simm.s32 $0x65D0  }
0x11: {  	[tilespmem:s21+$0xFFFFFFC0] =	vst v0  }
0x12: {  	[tilespmem:s21+$0x30] =	vst v0  }
0x13: {  	[tilespmem:s21+$0x20] =	vst v0  }
0x14: {  	[tilespmem:s21+$0x10] =	vst v0  }
0x15: {  	[tilespmem:s21+$0x0] =	vst v0  }
0x16: {  	[tilespmem:s21+$0xFFFFFFF0] =	vst v0  }
0x17: {  	s22 =	simm.s32 $0x0;
	[tilespmem:s21+$0xFFFFFFE0] =	vst v0  }
.LBB2_2:
0x18: {  	s22 =	sadd.s32 $0x8, s22;
	[tilespmem:s21+$0xFFFFFFD0] =	vst v0;
	s21 =	sadd.s32 $0x80, s21  }
0x19: {  	[tilespmem:s21+$0xFFFFFFC0] =	vst v0;
	p0 =	slt.u32 s22, $0x270  }
0x1a: {  	[tilespmem:s21+$0x30] =	vst v0  }
.Ltmp0:
0x1b: {  	[tilespmem:s21+$0x20] =	vst v0;
	(pc) =	sbr.rel @p0 .LBB2_2-.Ltmp0, $4  }
0x1c: {  	[tilespmem:s21+$0x10] =	vst v0  }
0x1d: {  	[tilespmem:s21+$0x0] =	vst v0  }
0x1e: {  	[tilespmem:s21+$0xFFFFFFF0] =	vst v0  }
0x1f: {  	[tilespmem:s21+$0xFFFFFFE0] =	vst v0  }
0x20: {  	[tilespmem:s21+$0xFFFFFFD0] =	vst v0  }
0x21: {  	[spmem:s4] =	stream.linear.scatter [tilespmem:s8], [sflag:$0x1], $0x2780, $0x38;
	[tilespmem:$0xB490] =	vst v63  }
0x22: {  	_ =	swait.ge [sflag:s9], $0x2780  }
0x23: {  	[sflag:s9] =	ssyncset.done $0x0  }
0x24: {  	s21 =	simm.s32 $0x2750;
	[sflag:s9] =	ssyncadd.s32 $0xFFFFD880  }
0x25: {  	[tilespmem:s21+$0xFFFFFFC0] =	vst v1  }
0x26: {  	[tilespmem:s21+$0x30] =	vst v1  }
0x27: {  	[tilespmem:s21+$0x20] =	vst v1  }
0x28: {  	[tilespmem:s21+$0x10] =	vst v1  }
0x29: {  	[tilespmem:s21+$0x0] =	vst v1  }
0x2a: {  	[tilespmem:s21+$0xFFFFFFF0] =	vst v1  }
0x2b: {  	s22 =	simm.s32 $0x0;
	[tilespmem:s21+$0xFFFFFFE0] =	vst v1  }
.LBB2_4:
0x2c: {  	s22 =	sadd.s32 $0x8, s22;
	[tilespmem:s21+$0xFFFFFFD0] =	vst v1;
	s21 =	sadd.s32 $0x80, s21  }
0x2d: {  	[tilespmem:s21+$0xFFFFFFC0] =	vst v1;
	p0 =	slt.u32 s22, $0x3E0  }
0x2e: {  	[tilespmem:s21+$0x30] =	vst v1  }
.Ltmp1:
0x2f: {  	[tilespmem:s21+$0x20] =	vst v1;
	(pc) =	sbr.rel @p0 .LBB2_4-.Ltmp1, $4  }
0x30: {  	[tilespmem:s21+$0x10] =	vst v1  }
0x31: {  	[tilespmem:s21+$0x0] =	vst v1  }
0x32: {  	[tilespmem:s21+$0xFFFFFFF0] =	vst v1  }
0x33: {  	[tilespmem:s21+$0xFFFFFFE0] =	vst v1  }
0x34: {  	[tilespmem:s21+$0xFFFFFFD0] =	vst v1  }
0x35: {  	[tilespmem:s3], [sflag:$0x1] =	stream.linear.gather [hbm4b:s5+s3], $0x2710, $0x38;
	[tilespmem:$0xB490] =	vst v63  }
0x36: {  	_ =	swait.ge [sflag:s9], $0x2710  }
0x37: {  	[sflag:s9] =	ssyncset.done $0x0  }
0x38: {  	[sflag:s9] =	ssyncadd.s32 $0xFFFFD8F0  }
0x39: {  	[bflag:$0x0] =	sbarrier.arrive $0xFFFF  }
0x3a: {  	[spmem:s2] =	stream.indirect.scatter.add.f32 [tilespmem:s11], [sflag:$0x1], $0x10, s3, s10, $0xb8;
	[tilespmem:$0xB490] =	vst v63  }
0x3b: {  	_ =	swait.ge [sflag:s9], $0x3E80  }
0x3c: {  	[sflag:s9] =	ssyncset.done $0x0  }
0x3d: {  	[sflag:s9] =	ssyncadd.s32 $0xFFFFC180  }
0x3e: {  	[spmem:s2] =	stream.indirect.scatter.add.f32 [tilespmem:s11], [sflag:$0x1], $0x10, s10, s10, $0xb8;
	[tilespmem:$0xB490] =	vst v63  }
0x3f: {  	_ =	swait.ge [sflag:s9], $0x3E80  }
0x40: {  	[sflag:s9] =	ssyncset.done $0x0  }
0x41: {  	[sflag:s9] =	ssyncadd.s32 $0xFFFFC180  }
0x42: {  	[spmem:s2] =	stream.indirect.scatter.add.f32 [tilespmem:s11], [sflag:$0x1], $0x10, s12, s10, $0xb8;
	[tilespmem:$0xB490] =	vst v63  }
0x43: {  	_ =	swait.ge [sflag:s9], $0x3E80  }
0x44: {  	[sflag:s9] =	ssyncset.done $0x0  }
0x45: {  	[sflag:s9] =	ssyncadd.s32 $0xFFFFC180  }
0x46: {  	[spmem:s2] =	stream.indirect.scatter.add.f32 [tilespmem:s11], [sflag:$0x1], $0x10, s13, s10, $0xb8;
	[tilespmem:$0xB490] =	vst v63  }
0x47: {  	_ =	swait.ge [sflag:s9], $0x3E80  }
0x48: {  	[sflag:s9] =	ssyncset.done $0x0  }
0x49: {  	[sflag:s9] =	ssyncadd.s32 $0xFFFFC180  }
0x4a: {  	[spmem:s2] =	stream.indirect.scatter.add.f32 [tilespmem:s11], [sflag:$0x1], $0x10, s14, s10, $0xb8;
	[tilespmem:$0xB490] =	vst v63  }
0x4b: {  	_ =	swait.ge [sflag:s9], $0x3E80  }
0x4c: {  	[sflag:s9] =	ssyncset.done $0x0  }
0x4d: {  	[sflag:s9] =	ssyncadd.s32 $0xFFFFC180  }
0x4e: {  	[spmem:s2] =	stream.indirect.scatter.add.f32 [tilespmem:s11], [sflag:$0x1], $0x10, s15, s10, $0xb8;
	[tilespmem:$0xB490] =	vst v63  }
0x4f: {  	_ =	swait.ge [sflag:s9], $0x3E80  }
0x50: {  	[sflag:s9] =	ssyncset.done $0x0  }
0x51: {  	[sflag:s9] =	ssyncadd.s32 $0xFFFFC180  }
0x52: {  	[spmem:s2] =	stream.indirect.scatter.add.f32 [tilespmem:s11], [sflag:$0x1], $0x10, s16, s10, $0xb8;
	[tilespmem:$0xB490] =	vst v63  }
0x53: {  	_ =	swait.ge [sflag:s9], $0x3E80  }
0x54: {  	[sflag:s9] =	ssyncset.done $0x0  }
0x55: {  	[sflag:s9] =	ssyncadd.s32 $0xFFFFC180  }
0x56: {  	[spmem:s2] =	stream.indirect.scatter.add.f32 [tilespmem:s11], [sflag:$0x1], $0x10, s17, s10, $0xb8;
	[tilespmem:$0xB490] =	vst v63  }
0x57: {  	_ =	swait.ge [sflag:s9], $0x3E80  }
0x58: {  	[sflag:s9] =	ssyncset.done $0x0  }
0x59: {  	[sflag:s9] =	ssyncadd.s32 $0xFFFFC180  }
0x5a: {  	[spmem:s2] =	stream.indirect.scatter.add.f32 [tilespmem:s11], [sflag:$0x1], $0x10, s18, s10, $0xb8;
	[tilespmem:$0xB490] =	vst v63  }
0x5b: {  	_ =	swait.ge [sflag:s9], $0x3E80  }
0x5c: {  	[sflag:s9] =	ssyncset.done $0x0  }
0x5d: {  	[sflag:s9] =	ssyncadd.s32 $0xFFFFC180  }
0x5e: {  	[spmem:s2] =	stream.indirect.scatter.add.f32 [tilespmem:s11], [sflag:$0x1], $0x10, s19, s10, $0xb8;
	[tilespmem:$0xB490] =	vst v63  }
0x5f: {  	_ =	swait.ge [sflag:s9], $0x3E80  }
0x60: {  	s31 =	sshll.u32 s1, $0x6;
	s20 =	sadd.s32 $0x1, s20;
	[sflag:s9] =	ssyncset.done $0x0  }
0x61: {  	s22 =	sshrl.u32 s4, $0x3;
	p0 =	sne.s32 s20, s7;
	[sflag:s9] =	ssyncadd.s32 $0xFFFFC180  }
.Ltmp2:
0x62: {  	s21 =	sor.u32 $0x1C01, s31;
	[bflag:$0x0] =	sbarrier.arrive $0xFFFF;
	(pc) =	sbr.rel @p0 .LBB2_1-.Ltmp2, $4  }
0x63: {  	[hbm:s6], [sflag:s21] =	dma.local [spmem:s22], $0x4F0  }
0x64: {  	_ =	swait.ge [sflag:s9], $0x4F0  }
0x65: {  	[sflag:s9] =	ssyncset.done $0x0  }
0x66: {  	[sflag:s9] =	ssyncadd.s32 $0xFFFFFB10  }
0x67: {  	_ =	sfence.sel $0x180000  }
0x68: {  	[bflag:$0x0] =	sbarrier.arrive $0xFFFF  }
0x69: {  	p0 =	sne.s32 s1, $0x0;
	_ =	strace $0x90000047  }
0x6a: {  	s0 =	sadd.s32 @!p0 $0x100000, s0;
	[bflag:$0x2] =	sbarrier.arrive $0xFFFF  }
0x6b: {  	[sflag:s0] =	ssyncadd.tile.s32 @!p0 $0x1;
	_ =	shalt  }
.Lfunc_end2:
_tile_overlayer_lowered:
.L_overlay_start_2:
0x6c: {  	(tag) =	ssettag $0x2  }
0x6d: {  	s0 =	rddreg [dreg:$0x0];
	s2 =	stileid.u32  }
0x6e: {  	s1 =	rddreg [dreg:$0x1];
	p0 =	sne.s32 s2, $0x0  }
0x6f: {  	s3 =	rddreg [dreg:$0x2];
	[bflag:$0x3] =	sbarrier.arrive $0xFFFF;
	s2 =	simm.s32 @!p0 $0x1C01  }
0x70: {  	[timem:s3], [sflag:s2] =	dma.local @!p0 [hbm:s0], s1  }
0x71: {  	s0 =	simm.s32 @!p0 $0x1  }
0x72: {  	_ =	swait.ge @!p0 [sflag:s0], s1  }
0x73: {  	s1 =	ssub.s32 @!p0 $0x0, s1;
	[sflag:s0] =	ssyncset.done @!p0 $0x0  }
0x74: {  	[sflag:s0] =	ssyncadd.s32 @!p0 s1  }
0x75: {  	[bflag:$0x3] =	sbarrier.arrive $0xFFFF  }
0x76: {  	_ =	shalt  }

</sc_bundles>
